<compile_context>
chip_gen: v7x
topology: tpu7x:2x2x1
jax: 0.10.2.dev20260603
libtpu: 0.0.44.dev20260713+nightly
codegen_flags: <defaults>
</compile_context>

<pallas_src>
import functools

import jax
import jax.numpy as jnp
from jax.experimental import pallas as pl
from jax.experimental.pallas import tpu as pltpu

_ALPHA = 3.0
_K = 20
_ROW_BLOCK = 128
_CHUNK = 128


def _nodevec_kernel(e1_ref, w1_ref, b1_ref, e2_ref, w2_ref, b2_ref,
                    acat_ref, bcat_ref):
    n, d = e1_ref.shape
    h1 = jax.lax.dot_general(
        e1_ref[...], w1_ref[...], (((1,), (1,)), ((), ())),
        preferred_element_type=jnp.float32)
    h2 = jax.lax.dot_general(
        e2_ref[...], w2_ref[...], (((1,), (1,)), ((), ())),
        preferred_element_type=jnp.float32)
    nv1 = jnp.tanh(_ALPHA * (h1 + b1_ref[...]))
    nv2 = jnp.tanh(_ALPHA * (h2 + b2_ref[...]))
    acat_ref[:n, :d] = nv1
    acat_ref[:n, d:] = -nv2
    bcat_ref[:n, :d] = nv2
    bcat_ref[:n, d:] = nv1
    acat_ref[n:, :] = jnp.zeros_like(acat_ref[n:, :])
    bcat_ref[n:, :] = jnp.zeros_like(bcat_ref[n:, :])


def _adj_kernel(acat_ref, bcat_ref, expand_ref, tri_ref,
                cmat_ref, out_ref, *, n):
    r, np_ = acat_ref.shape[0], bcat_ref.shape[0]
    nc = np_ // _CHUNK
    a = jax.lax.dot_general(
        acat_ref[...], bcat_ref[...], (((1,), (1,)), ((), ())),
        preferred_element_type=jnp.float32)
    t = jnp.tanh(_ALPHA * a)
    eqf = (t >= 1.0).astype(jnp.bfloat16)

    expand = expand_ref[...]
    cmat = cmat_ref[...]
    s = jax.lax.dot_general(
        eqf, expand, (((1,), (0,)), ((), ())),
        preferred_element_type=jnp.float32)
    p = jax.lax.dot_general(
        s, tri_ref[...], (((1,), (0,)), ((), ())),
        preferred_element_type=jnp.float32)

    row0 = pl.program_id(0) * r
    rowid = row0 + jax.lax.broadcasted_iota(jnp.int32, (r, 1), 0)
    cnt = jnp.where(rowid < n, p[:, nc - 1:nc], jnp.inf)
    fast = jnp.min(cnt) >= _K

    @pl.when(fast)
    def _fast_path():
        pprev = p - s
        fk = (p <= _K).astype(jnp.float32)
        bnd = ((pprev < _K) & (p > _K)).astype(jnp.float32)
        code = (fk + 2.0 * bnd).astype(jnp.bfloat16)
        code_l = jax.lax.dot_general(
            code, expand, (((1,), (1,)), ((), ())),
            preferred_element_type=jnp.float32)
        masked = jnp.where(code_l > 1.5, eqf, jnp.bfloat16(0))
        eqb = jax.lax.dot_general(
            masked, cmat, (((1,), (0,)), ((), ())),
            preferred_element_type=jnp.float32)
        lane = jax.lax.broadcasted_iota(jnp.int32, (r, _CHUNK), 1)
        w = eqb
        shift = 1
        while shift < _CHUNK:
            w = w + jnp.where(lane >= shift,
                              pltpu.roll(w, shift, axis=1), 0.0)
            shift *= 2
        need = _K - jnp.sum(bnd * pprev, axis=1, keepdims=True)
        lk = (w <= need).astype(jnp.bfloat16)
        lk_l = jax.lax.dot_general(
            lk, cmat, (((1,), (1,)), ((), ())),
            preferred_element_type=jnp.float32)
        out_ref[...] = jnp.where(code_l == 1.0,
                                 eqf.astype(jnp.float32),
                                 masked * lk_l)[:, :n]

    @pl.when(jnp.logical_not(fast))
    def _general_path():
        iota = jax.lax.broadcasted_iota(jnp.int32, (r, np_), 1)
        adj0 = jnp.maximum(t, 0.0)

        def body(_, carry):
            work, keep = carry
            m = jnp.max(work, axis=1, keepdims=True)
            cand = jnp.where(work == m, iota, np_)
            j = jnp.min(cand, axis=1, keepdims=True)
            sel = iota == j
            keep = jnp.where(sel & (m > 0.0), 1.0, keep)
            work = jnp.where(sel, -1.0, work)
            return work, keep

        _, keep = jax.lax.fori_loop(
            0, _K, body, (adj0, jnp.zeros((r, np_), jnp.float32)))
        out_ref[...] = (adj0 * keep)[:, :n]


def kernel(idx, scale_idx, scale_set, emb1, emb2, W1, b1, W2, b2):
    del scale_idx, scale_set
    e1 = jnp.take(emb1, idx, axis=0)
    e2 = jnp.take(emb2, idx, axis=0)
    n, d = e1.shape
    np_ = (n + 1023) // 1024 * 1024

    acat, bcat = pl.pallas_call(
        _nodevec_kernel,
        out_shape=(jax.ShapeDtypeStruct((np_, 2 * d), jnp.float32),
                   jax.ShapeDtypeStruct((np_, 2 * d), jnp.float32)),
    )(e1, W1, b1.reshape(1, d), e2, W2, b2.reshape(1, d))

    nc = np_ // _CHUNK
    g = jnp.arange(np_, dtype=jnp.int32)
    expand = (g[:, None] // _CHUNK == jnp.arange(nc)[None, :]
              ).astype(jnp.bfloat16)
    tri = (jnp.arange(nc)[:, None] <= jnp.arange(nc)[None, :]
           ).astype(jnp.float32)
    cmat = (g[:, None] % _CHUNK == jnp.arange(_CHUNK)[None, :]
            ).astype(jnp.bfloat16)

    rb = _ROW_BLOCK
    grid = (n + rb - 1) // rb
    adj = pl.pallas_call(
        functools.partial(_adj_kernel, n=n),
        grid=(grid,),
        in_specs=[
            pl.BlockSpec((rb, 2 * d), lambda i: (i, 0)),
            pl.BlockSpec((np_, 2 * d), lambda i: (0, 0)),
            pl.BlockSpec((np_, nc), lambda i: (0, 0)),
            pl.BlockSpec((nc, nc), lambda i: (0, 0)),
            pl.BlockSpec((np_, _CHUNK), lambda i: (0, 0)),
        ],
        out_specs=pl.BlockSpec((rb, n), lambda i: (i, 0)),
        out_shape=jax.ShapeDtypeStruct((n, n), jnp.float32),
        compiler_params=pltpu.CompilerParams(
            dimension_semantics=("parallel",),
            vmem_limit_bytes=100 * 1024 * 1024),
    )(acat, bcat, expand, tri, cmat)
    return adj

# --- scband reference (transcript-rebuilt; emitter-appended) ---
"""Pipeline reference for scband-graph-constructor-one-46248207843766 (READ-ONLY COPY).

The authoritative reference and input builder live on the scoring server;
editing this copy changes nothing except your own understanding.
"""

import jax, jax.numpy as jnp
import numpy as np

N = 10000
DIM = 40
K = 20
ALPHA = 3.0


def setup_inputs(seed: int = 0) -> dict:
    key = jax.random.key(seed)
    ks = jax.random.split(key, 8)
    return {
        "idx": jnp.arange(N, dtype=jnp.int32),
        "scale_idx": jnp.arange(3, dtype=jnp.int32),
        "scale_set": jax.random.uniform(ks[0], (3,), dtype=jnp.float32),
        "emb1": jax.random.normal(ks[1], (N, DIM), dtype=jnp.float32),
        "emb2": jax.random.normal(ks[2], (N, DIM), dtype=jnp.float32),
        "W1": jax.random.normal(ks[3], (DIM, DIM), dtype=jnp.float32) * 0.05,
        "b1": jnp.zeros((DIM,), dtype=jnp.float32),
        "W2": jax.random.normal(ks[4], (DIM, DIM), dtype=jnp.float32) * 0.05,
        "b2": jnp.zeros((DIM,), dtype=jnp.float32),
    }


def reference(idx, scale_idx, scale_set, emb1, emb2, W1, b1, W2, b2):
    # embedding lookups (gather)
    nodevec1 = jnp.take(emb1, idx, axis=0)
    nodevec2 = jnp.take(emb2, idx, axis=0)
    # linear + tanh nonlinearity
    nodevec1 = jnp.tanh(ALPHA * (nodevec1 @ W1.T + b1))
    nodevec2 = jnp.tanh(ALPHA * (nodevec2 @ W2.T + b2))
    # antisymmetric score matrix
    a = nodevec1 @ nodevec2.T - nodevec2 @ nodevec1.T
    adj0 = jax.nn.relu(jnp.tanh(ALPHA * a))
    # row-wise top-k masking: keep only top-k entries per row
    s1, t1 = jax.lax.top_k(adj0, K)
    n = idx.shape[0]
    rows = jnp.arange(n)[:, None]
    mask = jnp.zeros((n, n), dtype=adj0.dtype).at[rows, t1].set(1.0)
    adj = adj0 * mask
    return adj

if __name__ == "__main__":
    import jax
    _d = setup_inputs()
    print(jax.jit(kernel)(*tuple(_d.values())))

</pallas_src>

<mosaic_0001>
module attributes {stable_mosaic.version = 14 : i64} {
  func.func @_adj_kernel(%arg0: i32, %arg1: memref<128x80xf32, #tpu.memory_space<vmem>>, %arg2: memref<10240x80xf32, #tpu.memory_space<vmem>>, %arg3: memref<10240x80xbf16, #tpu.memory_space<vmem>>, %arg4: memref<80x80xf32, #tpu.memory_space<vmem>>, %arg5: memref<10240x128xbf16, #tpu.memory_space<vmem>>, %arg6: memref<128x10000xf32, #tpu.memory_space<vmem>>) attributes {dimension_semantics = [#tpu.dimension_semantics<parallel>], iteration_bounds = array<i64: 79>, scalar_prefetch = 0 : i64, scratch_operands = 0 : i64, tpu.core_type = #tpu.core_type<tc>, window_params = [{transform_indices = @transform_0, window_bounds = array<i64: 128, 80>}, {pipeline_mode = #tpu.pipeline_mode<synchronous>, transform_indices = @transform_1, window_bounds = array<i64: 10240, 80>}, {pipeline_mode = #tpu.pipeline_mode<synchronous>, transform_indices = @transform_2, window_bounds = array<i64: 10240, 80>}, {pipeline_mode = #tpu.pipeline_mode<synchronous>, transform_indices = @transform_3, window_bounds = array<i64: 80, 80>}, {pipeline_mode = #tpu.pipeline_mode<synchronous>, transform_indices = @transform_4, window_bounds = array<i64: 10240, 128>}, {transform_indices = @transform_5, window_bounds = array<i64: 128, 10000>}]} {
    %get3A = arith.constant 0 : index
    %get3A_0 = arith.constant 0 : index
    %get3A_1 = vector.load %arg1[%get3A, %get3A_0] : memref<128x80xf32, #tpu.memory_space<vmem>>, vector<128x80xf32>
    %get3A_2 = arith.constant 0 : index
    %get3A_3 = arith.constant 0 : index
    %get3A_4 = vector.load %arg2[%get3A_2, %get3A_3] : memref<10240x80xf32, #tpu.memory_space<vmem>>, vector<10240x80xf32>
    %dot_general3A = arith.constant dense<0.000000e+00> : vector<128x10240xf32>
    %dot_general3A_5 = tpu.matmul %get3A_1, %get3A_4, %dot_general3A {dimension_numbers = #tpu.dot_dimension_numbers<[1], [1], [0], [0], [0, 0, 1, 0], [], []>, transpose_lhs_hint = false} : vector<128x80xf32>, vector<10240x80xf32>, vector<128x10240xf32> -> vector<128x10240xf32>
    %mul3A = arith.constant 3.000000e+00 : f32
    %mul3A_6 = vector.broadcast %mul3A : f32 to vector<128x10240xf32>
    %mul3A_7 = arith.mulf %mul3A_6, %dot_general3A_5 : vector<128x10240xf32>
    %tanh3A = math.tanh %mul3A_7 : vector<128x10240xf32>
    %ge3A = arith.constant 1.000000e+00 : f32
    %ge3A_8 = vector.broadcast %ge3A : f32 to vector<128x10240xf32>
    %ge3A_9 = arith.cmpf oge, %tanh3A, %ge3A_8 : vector<128x10240xf32>
    %convert_element_type3A = arith.extui %ge3A_9 : vector<128x10240xi1> to vector<128x10240xi32>
    %convert_element_type3A_10 = arith.sitofp %convert_element_type3A : vector<128x10240xi32> to vector<128x10240xf32>
    %convert_element_type3A_11 = arith.truncf %convert_element_type3A_10 : vector<128x10240xf32> to vector<128x10240xbf16>
    %get3A_12 = arith.constant 0 : index
    %get3A_13 = arith.constant 0 : index
    %get3A_14 = vector.load %arg3[%get3A_12, %get3A_13] : memref<10240x80xbf16, #tpu.memory_space<vmem>>, vector<10240x80xbf16>
    %get3A_15 = arith.constant 0 : index
    %get3A_16 = arith.constant 0 : index
    %get3A_17 = vector.load %arg5[%get3A_15, %get3A_16] : memref<10240x128xbf16, #tpu.memory_space<vmem>>, vector<10240x128xbf16>
    %dot_general3A_18 = arith.constant dense<0.000000e+00> : vector<128x80xf32>
    %dot_general3A_19 = tpu.matmul %convert_element_type3A_11, %get3A_14, %dot_general3A_18 {dimension_numbers = #tpu.dot_dimension_numbers<[1], [0], [0], [1], [0, 0, 1, 1], [], []>, transpose_lhs_hint = false} : vector<128x10240xbf16>, vector<10240x80xbf16>, vector<128x80xf32> -> vector<128x80xf32>
    %get3A_20 = arith.constant 0 : index
    %get3A_21 = arith.constant 0 : index
    %get3A_22 = vector.load %arg4[%get3A_20, %get3A_21] : memref<80x80xf32, #tpu.memory_space<vmem>>, vector<80x80xf32>
    %dot_general3A_23 = arith.constant dense<0.000000e+00> : vector<128x80xf32>
    %dot_general3A_24 = tpu.matmul %dot_general3A_19, %get3A_22, %dot_general3A_23 {dimension_numbers = #tpu.dot_dimension_numbers<[1], [0], [0], [1], [0, 0, 1, 1], [], []>, transpose_lhs_hint = false} : vector<128x80xf32>, vector<80x80xf32>, vector<128x80xf32> -> vector<128x80xf32>
    %mul3A_25 = arith.constant 128 : i32
    %mul3A_26 = arith.muli %arg0, %mul3A_25 : i32
    %iota3A = tpu.iota {dimensions = array<i32: 0>} : vector<128x1xi32>
    %add3A = vector.broadcast %mul3A_26 : i32 to vector<128x1xi32>
    %add3A_27 = arith.addi %add3A, %iota3A : vector<128x1xi32>
    %lt3A = arith.constant 10000 : i32
    %lt3A_28 = vector.broadcast %lt3A : i32 to vector<128x1xi32>
    %lt3A_29 = arith.cmpi slt, %add3A_27, %lt3A_28 : vector<128x1xi32>
    %slice3A = vector.extract_strided_slice %dot_general3A_24 {offsets = [0, 79], sizes = [128, 1], strides = [1, 1]} : vector<128x80xf32> to vector<128x1xf32>
    %jit3A = arith.constant 0x7F800000 : f32
    %broadcast_in_dim3A = vector.broadcast %jit3A : f32 to vector<128x1xf32>
    %select_n3A = arith.select %lt3A_29, %slice3A, %broadcast_in_dim3A : vector<128x1xi1>, vector<128x1xf32>
    %reduce_min3A = vector.shape_cast %select_n3A : vector<128x1xf32> to vector<1x128x1xf32>
    %reduce_min3A_30 = arith.constant dense<0x7F800000> : vector<1xf32>
    %reduce_min3A_31 = vector.multi_reduction <minimumf>, %reduce_min3A, %reduce_min3A_30 [1, 2] : vector<1x128x1xf32> to vector<1xf32>
    %reduce_min3A_32 = vector.shape_cast %reduce_min3A_31 : vector<1xf32> to vector<1x1x1xf32>
    %reduce_min3A_33 = vector.extract %reduce_min3A_32[0, 0, 0] : f32 from vector<1x1x1xf32>
    %ge3A_34 = arith.constant 2.000000e+01 : f32
    %ge3A_35 = arith.cmpf oge, %reduce_min3A_33, %ge3A_34 : f32
    %convert_element_type3A_36 = arith.extui %ge3A_35 : i1 to i32
    %cond3A = arith.constant 0 : i32
    %cond3A_37 = arith.cmpi ne, %convert_element_type3A_36, %cond3A : i32
    scf.if %cond3A_37 {
      %sub3A = arith.subf %dot_general3A_24, %dot_general3A_19 : vector<128x80xf32>
      %le3A = arith.constant 2.000000e+01 : f32
      %le3A_42 = vector.broadcast %le3A : f32 to vector<128x80xf32>
      %le3A_43 = arith.cmpf ole, %dot_general3A_24, %le3A_42 : vector<128x80xf32>
      %convert_element_type3A_44 = arith.extui %le3A_43 : vector<128x80xi1> to vector<128x80xi32>
      %convert_element_type3A_45 = arith.sitofp %convert_element_type3A_44 : vector<128x80xi32> to vector<128x80xf32>
      %lt3A_46 = arith.constant 2.000000e+01 : f32
      %lt3A_47 = vector.broadcast %lt3A_46 : f32 to vector<128x80xf32>
      %lt3A_48 = arith.cmpf olt, %sub3A, %lt3A_47 : vector<128x80xf32>
      %gt3A = arith.constant 2.000000e+01 : f32
      %gt3A_49 = vector.broadcast %gt3A : f32 to vector<128x80xf32>
      %gt3A_50 = arith.cmpf ogt, %dot_general3A_24, %gt3A_49 : vector<128x80xf32>
      %and3A = arith.andi %lt3A_48, %gt3A_50 : vector<128x80xi1>
      %convert_element_type3A_51 = arith.extui %and3A : vector<128x80xi1> to vector<128x80xi32>
      %convert_element_type3A_52 = arith.sitofp %convert_element_type3A_51 : vector<128x80xi32> to vector<128x80xf32>
      %mul3A_53 = arith.constant 2.000000e+00 : f32
      %mul3A_54 = vector.broadcast %mul3A_53 : f32 to vector<128x80xf32>
      %mul3A_55 = arith.mulf %mul3A_54, %convert_element_type3A_52 : vector<128x80xf32>
      %add3A_56 = arith.addf %convert_element_type3A_45, %mul3A_55 : vector<128x80xf32>
      %convert_element_type3A_57 = arith.truncf %add3A_56 : vector<128x80xf32> to vector<128x80xbf16>
      %dot_general3A_58 = arith.constant dense<0.000000e+00> : vector<128x10240xf32>
      %dot_general3A_59 = tpu.matmul %convert_element_type3A_57, %get3A_14, %dot_general3A_58 {dimension_numbers = #tpu.dot_dimension_numbers<[1], [1], [0], [0], [0, 0, 1, 0], [], []>, transpose_lhs_hint = false} : vector<128x80xbf16>, vector<10240x80xbf16>, vector<128x10240xf32> -> vector<128x10240xf32>
      %gt3A_60 = arith.constant 1.500000e+00 : f32
      %gt3A_61 = vector.broadcast %gt3A_60 : f32 to vector<128x10240xf32>
      %gt3A_62 = arith.cmpf ogt, %dot_general3A_59, %gt3A_61 : vector<128x10240xf32>
      %jit3A_63 = arith.constant 0.000000e+00 : bf16
      %broadcast_in_dim3A_64 = vector.broadcast %jit3A_63 : bf16 to vector<128x10240xbf16>
      %select_n3A_65 = arith.select %gt3A_62, %convert_element_type3A_11, %broadcast_in_dim3A_64 : vector<128x10240xi1>, vector<128x10240xbf16>
      %dot_general3A_66 = arith.constant dense<0.000000e+00> : vector<128x128xf32>
      %dot_general3A_67 = tpu.matmul %select_n3A_65, %get3A_17, %dot_general3A_66 {dimension_numbers = #tpu.dot_dimension_numbers<[1], [0], [0], [1], [0, 0, 1, 1], [], []>, transpose_lhs_hint = false} : vector<128x10240xbf16>, vector<10240x128xbf16>, vector<128x128xf32> -> vector<128x128xf32>
      %iota3A_68 = tpu.iota {dimensions = array<i32: 1>} : vector<128x128xi32>
      %ge3A_69 = arith.constant 1 : i32
      %ge3A_70 = vector.broadcast %ge3A_69 : i32 to vector<128x128xi32>
      %ge3A_71 = arith.cmpi sge, %iota3A_68, %ge3A_70 : vector<128x128xi32>
      %roll3A = arith.constant 1 : i32
      %roll3A_72 = tpu.dynamic_rotate %dot_general3A_67 by %roll3A dim 1 : vector<128x128xf32>, i32 -> vector<128x128xf32>
      %jit3A_73 = arith.constant 0.000000e+00 : f32
      %broadcast_in_dim3A_74 = vector.broadcast %jit3A_73 : f32 to vector<128x128xf32>
      %select_n3A_75 = arith.select %ge3A_71, %roll3A_72, %broadcast_in_dim3A_74 : vector<128x128xi1>, vector<128x128xf32>
      %add3A_76 = arith.addf %dot_general3A_67, %select_n3A_75 : vector<128x128xf32>
      %ge3A_77 = arith.constant 2 : i32
      %ge3A_78 = vector.broadcast %ge3A_77 : i32 to vector<128x128xi32>
      %ge3A_79 = arith.cmpi sge, %iota3A_68, %ge3A_78 : vector<128x128xi32>
      %roll3A_80 = arith.constant 2 : i32
      %roll3A_81 = tpu.dynamic_rotate %add3A_76 by %roll3A_80 dim 1 : vector<128x128xf32>, i32 -> vector<128x128xf32>
      %jit3A_82 = arith.constant 0.000000e+00 : f32
      %broadcast_in_dim3A_83 = vector.broadcast %jit3A_82 : f32 to vector<128x128xf32>
      %select_n3A_84 = arith.select %ge3A_79, %roll3A_81, %broadcast_in_dim3A_83 : vector<128x128xi1>, vector<128x128xf32>
      %add3A_85 = arith.addf %add3A_76, %select_n3A_84 : vector<128x128xf32>
      %ge3A_86 = arith.constant 4 : i32
      %ge3A_87 = vector.broadcast %ge3A_86 : i32 to vector<128x128xi32>
      %ge3A_88 = arith.cmpi sge, %iota3A_68, %ge3A_87 : vector<128x128xi32>
      %roll3A_89 = arith.constant 4 : i32
      %roll3A_90 = tpu.dynamic_rotate %add3A_85 by %roll3A_89 dim 1 : vector<128x128xf32>, i32 -> vector<128x128xf32>
      %jit3A_91 = arith.constant 0.000000e+00 : f32
      %broadcast_in_dim3A_92 = vector.broadcast %jit3A_91 : f32 to vector<128x128xf32>
      %select_n3A_93 = arith.select %ge3A_88, %roll3A_90, %broadcast_in_dim3A_92 : vector<128x128xi1>, vector<128x128xf32>
      %add3A_94 = arith.addf %add3A_85, %select_n3A_93 : vector<128x128xf32>
      %ge3A_95 = arith.constant 8 : i32
      %ge3A_96 = vector.broadcast %ge3A_95 : i32 to vector<128x128xi32>
      %ge3A_97 = arith.cmpi sge, %iota3A_68, %ge3A_96 : vector<128x128xi32>
      %roll3A_98 = arith.constant 8 : i32
      %roll3A_99 = tpu.dynamic_rotate %add3A_94 by %roll3A_98 dim 1 : vector<128x128xf32>, i32 -> vector<128x128xf32>
      %jit3A_100 = arith.constant 0.000000e+00 : f32
      %broadcast_in_dim3A_101 = vector.broadcast %jit3A_100 : f32 to vector<128x128xf32>
      %select_n3A_102 = arith.select %ge3A_97, %roll3A_99, %broadcast_in_dim3A_101 : vector<128x128xi1>, vector<128x128xf32>
      %add3A_103 = arith.addf %add3A_94, %select_n3A_102 : vector<128x128xf32>
      %ge3A_104 = arith.constant 16 : i32
      %ge3A_105 = vector.broadcast %ge3A_104 : i32 to vector<128x128xi32>
      %ge3A_106 = arith.cmpi sge, %iota3A_68, %ge3A_105 : vector<128x128xi32>
      %roll3A_107 = arith.constant 16 : i32
      %roll3A_108 = tpu.dynamic_rotate %add3A_103 by %roll3A_107 dim 1 : vector<128x128xf32>, i32 -> vector<128x128xf32>
      %jit3A_109 = arith.constant 0.000000e+00 : f32
      %broadcast_in_dim3A_110 = vector.broadcast %jit3A_109 : f32 to vector<128x128xf32>
      %select_n3A_111 = arith.select %ge3A_106, %roll3A_108, %broadcast_in_dim3A_110 : vector<128x128xi1>, vector<128x128xf32>
      %add3A_112 = arith.addf %add3A_103, %select_n3A_111 : vector<128x128xf32>
      %ge3A_113 = arith.constant 32 : i32
      %ge3A_114 = vector.broadcast %ge3A_113 : i32 to vector<128x128xi32>
      %ge3A_115 = arith.cmpi sge, %iota3A_68, %ge3A_114 : vector<128x128xi32>
      %roll3A_116 = arith.constant 32 : i32
      %roll3A_117 = tpu.dynamic_rotate %add3A_112 by %roll3A_116 dim 1 : vector<128x128xf32>, i32 -> vector<128x128xf32>
      %jit3A_118 = arith.constant 0.000000e+00 : f32
      %broadcast_in_dim3A_119 = vector.broadcast %jit3A_118 : f32 to vector<128x128xf32>
      %select_n3A_120 = arith.select %ge3A_115, %roll3A_117, %broadcast_in_dim3A_119 : vector<128x128xi1>, vector<128x128xf32>
      %add3A_121 = arith.addf %add3A_112, %select_n3A_120 : vector<128x128xf32>
      %ge3A_122 = arith.constant 64 : i32
      %ge3A_123 = vector.broadcast %ge3A_122 : i32 to vector<128x128xi32>
      %ge3A_124 = arith.cmpi sge, %iota3A_68, %ge3A_123 : vector<128x128xi32>
      %roll3A_125 = arith.constant 64 : i32
      %roll3A_126 = tpu.dynamic_rotate %add3A_121 by %roll3A_125 dim 1 : vector<128x128xf32>, i32 -> vector<128x128xf32>
      %jit3A_127 = arith.constant 0.000000e+00 : f32
      %broadcast_in_dim3A_128 = vector.broadcast %jit3A_127 : f32 to vector<128x128xf32>
      %select_n3A_129 = arith.select %ge3A_124, %roll3A_126, %broadcast_in_dim3A_128 : vector<128x128xi1>, vector<128x128xf32>
      %add3A_130 = arith.addf %add3A_121, %select_n3A_129 : vector<128x128xf32>
      %mul3A_131 = arith.mulf %convert_element_type3A_52, %sub3A : vector<128x80xf32>
      %reduce_sum3A = arith.constant dense<0.000000e+00> : vector<128xf32>
      %reduce_sum3A_132 = vector.multi_reduction <add>, %mul3A_131, %reduce_sum3A [1] : vector<128x80xf32> to vector<128xf32>
      %broadcast_in_dim3A_133 = vector.shape_cast %reduce_sum3A_132 : vector<128xf32> to vector<128x1xf32>
      %sub3A_134 = arith.constant 2.000000e+01 : f32
      %sub3A_135 = vector.broadcast %sub3A_134 : f32 to vector<128x1xf32>
      %sub3A_136 = arith.subf %sub3A_135, %broadcast_in_dim3A_133 : vector<128x1xf32>
      %le3A_137 = vector.broadcast %sub3A_136 : vector<128x1xf32> to vector<128x128xf32>
      %le3A_138 = arith.cmpf ole, %add3A_130, %le3A_137 : vector<128x128xf32>
      %convert_element_type3A_139 = arith.extui %le3A_138 : vector<128x128xi1> to vector<128x128xi32>
      %convert_element_type3A_140 = arith.sitofp %convert_element_type3A_139 : vector<128x128xi32> to vector<128x128xf32>
      %convert_element_type3A_141 = arith.truncf %convert_element_type3A_140 : vector<128x128xf32> to vector<128x128xbf16>
      %dot_general3A_142 = arith.constant dense<0.000000e+00> : vector<128x10240xf32>
      %dot_general3A_143 = tpu.matmul %convert_element_type3A_141, %get3A_17, %dot_general3A_142 {dimension_numbers = #tpu.dot_dimension_numbers<[1], [1], [0], [0], [0, 0, 1, 0], [], []>, transpose_lhs_hint = false} : vector<128x128xbf16>, vector<10240x128xbf16>, vector<128x10240xf32> -> vector<128x10240xf32>
      %eq3A = arith.constant 1.000000e+00 : f32
      %eq3A_144 = vector.broadcast %eq3A : f32 to vector<128x10240xf32>
      %eq3A_145 = arith.cmpf oeq, %dot_general3A_59, %eq3A_144 : vector<128x10240xf32>
      %convert_element_type3A_146 = arith.extf %convert_element_type3A_11 : vector<128x10240xbf16> to vector<128x10240xf32>
      %convert_element_type3A_147 = arith.extf %select_n3A_65 : vector<128x10240xbf16> to vector<128x10240xf32>
      %mul3A_148 = arith.mulf %convert_element_type3A_147, %dot_general3A_143 : vector<128x10240xf32>
      %select_n3A_149 = arith.select %eq3A_145, %convert_element_type3A_146, %mul3A_148 : vector<128x10240xi1>, vector<128x10240xf32>
      %slice3A_150 = vector.extract_strided_slice %select_n3A_149 {offsets = [0, 0], sizes = [128, 10000], strides = [1, 1]} : vector<128x10240xf32> to vector<128x10000xf32>
      %swap3A = arith.constant 0 : index
      %swap3A_151 = arith.constant 0 : index
      %swap3A_152 = vector.load %arg6[%swap3A, %swap3A_151] : memref<128x10000xf32, #tpu.memory_space<vmem>>, vector<128x10000xf32>
      tpu.vector_store %arg6[%swap3A, %swap3A_151], %slice3A_150 {strides = array<i32>} : memref<128x10000xf32, #tpu.memory_space<vmem>>, vector<128x10000xf32>,
    } else {
    }
    %not3A = arith.constant true
    %not3A_38 = arith.xori %ge3A_35, %not3A : i1
    %convert_element_type3A_39 = arith.extui %not3A_38 : i1 to i32
    %cond3A_40 = arith.constant 0 : i32
    %cond3A_41 = arith.cmpi ne, %convert_element_type3A_39, %cond3A_40 : i32
    scf.if %cond3A_41 {
      %iota3A_42 = tpu.iota {dimensions = array<i32: 1>} : vector<128x10240xi32>
      %max3A = arith.constant 0.000000e+00 : f32
      %max3A_43 = vector.broadcast %max3A : f32 to vector<128x10240xf32>
      %max3A_44 = arith.maximumf %tanh3A, %max3A_43 : vector<128x10240xf32>
      %broadcast_in_dim3A_45 = arith.constant 0.000000e+00 : f32
      %broadcast_in_dim3A_46 = vector.broadcast %broadcast_in_dim3A_45 : f32 to vector<128x10240xf32>
      %scan3A = arith.constant 0 : i32
      %scan3A_47 = arith.constant 20 : i32
      %scan3A_48 = arith.addi %scan3A, %scan3A_47 : i32
      %scan3A_49 = arith.constant 1 : i32
      %scan3A_50:2 = scf.for %scan3A_55 = %scan3A to %scan3A_48 step %scan3A_49 iter_args(%scan3A_56 = %max3A_44, %scan3A_57 = %broadcast_in_dim3A_46) -> (vector<128x10240xf32>, vector<128x10240xf32>)  : i32 {
        %reduce_max3A = arith.constant dense<0xFF800000> : vector<128xf32>
        %reduce_max3A_58 = vector.multi_reduction <maximumf>, %scan3A_56, %reduce_max3A [1] : vector<128x10240xf32> to vector<128xf32>
        %broadcast_in_dim3A_59 = vector.shape_cast %reduce_max3A_58 : vector<128xf32> to vector<128x1xf32>
        %eq3A = vector.broadcast %broadcast_in_dim3A_59 : vector<128x1xf32> to vector<128x10240xf32>
        %eq3A_60 = arith.cmpf oeq, %scan3A_56, %eq3A : vector<128x10240xf32>
        %jit3A_61 = arith.constant 10240 : i32
        %broadcast_in_dim3A_62 = vector.broadcast %jit3A_61 : i32 to vector<128x10240xi32>
        %select_n3A_63 = arith.select %eq3A_60, %iota3A_42, %broadcast_in_dim3A_62 : vector<128x10240xi1>, vector<128x10240xi32>
        %reduce_min3A_64 = arith.constant dense<2147483647> : vector<128xi32>
        %reduce_min3A_65 = vector.multi_reduction <minsi>, %select_n3A_63, %reduce_min3A_64 [1] : vector<128x10240xi32> to vector<128xi32>
        %broadcast_in_dim3A_66 = vector.shape_cast %reduce_min3A_65 : vector<128xi32> to vector<128x1xi32>
        %eq3A_67 = vector.broadcast %broadcast_in_dim3A_66 : vector<128x1xi32> to vector<128x10240xi32>
        %eq3A_68 = arith.cmpi eq, %iota3A_42, %eq3A_67 : vector<128x10240xi32>
        %gt3A = arith.constant 0.000000e+00 : f32
        %gt3A_69 = vector.broadcast %gt3A : f32 to vector<128x1xf32>
        %gt3A_70 = arith.cmpf ogt, %broadcast_in_dim3A_59, %gt3A_69 : vector<128x1xf32>
        %and3A = vector.broadcast %gt3A_70 : vector<128x1xi1> to vector<128x10240xi1>
        %and3A_71 = arith.andi %eq3A_68, %and3A : vector<128x10240xi1>
        %jit3A_72 = arith.constant 1.000000e+00 : f32
        %broadcast_in_dim3A_73 = vector.broadcast %jit3A_72 : f32 to vector<128x10240xf32>
        %select_n3A_74 = arith.select %and3A_71, %broadcast_in_dim3A_73, %scan3A_57 : vector<128x10240xi1>, vector<128x10240xf32>
        %jit3A_75 = arith.constant -1.000000e+00 : f32
        %broadcast_in_dim3A_76 = vector.broadcast %jit3A_75 : f32 to vector<128x10240xf32>
        %select_n3A_77 = arith.select %eq3A_68, %broadcast_in_dim3A_76, %scan3A_56 : vector<128x10240xi1>, vector<128x10240xf32>
        scf.yield %select_n3A_77, %select_n3A_74 : vector<128x10240xf32>, vector<128x10240xf32>
      }
      %mul3A_51 = arith.mulf %max3A_44, %scan3A_50#1 : vector<128x10240xf32>
      %slice3A_52 = vector.extract_strided_slice %mul3A_51 {offsets = [0, 0], sizes = [128, 10000], strides = [1, 1]} : vector<128x10240xf32> to vector<128x10000xf32>
      %swap3A = arith.constant 0 : index
      %swap3A_53 = arith.constant 0 : index
      %swap3A_54 = vector.load %arg6[%swap3A, %swap3A_53] : memref<128x10000xf32, #tpu.memory_space<vmem>>, vector<128x10000xf32>
      tpu.vector_store %arg6[%swap3A, %swap3A_53], %slice3A_52 {strides = array<i32>} : memref<128x10000xf32, #tpu.memory_space<vmem>>, vector<128x10000xf32>,
    } else {
    }
    return
  }
  func.func @transform_0(%arg0: i32) -> (i32, i32) {
    %c0_i32 = arith.constant 0 : i32
    %c0_i32_0 = arith.constant 0 : i32
    return %arg0, %c0_i32 : i32, i32
  }
  func.func @transform_1(%arg0: i32) -> (i32, i32) {
    %c0_i32 = arith.constant 0 : i32
    %c0_i32_0 = arith.constant 0 : i32
    %c0_i32_1 = arith.constant 0 : i32
    return %c0_i32, %c0_i32_0 : i32, i32
  }
  func.func @transform_2(%arg0: i32) -> (i32, i32) {
    %c0_i32 = arith.constant 0 : i32
    %c0_i32_0 = arith.constant 0 : i32
    %c0_i32_1 = arith.constant 0 : i32
    return %c0_i32, %c0_i32_0 : i32, i32
  }
  func.func @transform_3(%arg0: i32) -> (i32, i32) {
    %c0_i32 = arith.constant 0 : i32
    %c0_i32_0 = arith.constant 0 : i32
    %c0_i32_1 = arith.constant 0 : i32
    return %c0_i32, %c0_i32_0 : i32, i32
  }
  func.func @transform_4(%arg0: i32) -> (i32, i32) {
    %c0_i32 = arith.constant 0 : i32
    %c0_i32_0 = arith.constant 0 : i32
    %c0_i32_1 = arith.constant 0 : i32
    return %c0_i32, %c0_i32_0 : i32, i32
  }
  func.func @transform_5(%arg0: i32) -> (i32, i32) {
    %c0_i32 = arith.constant 0 : i32
    %c0_i32_0 = arith.constant 0 : i32
    return %arg0, %c0_i32 : i32, i32
  }
}

module attributes {stable_mosaic.version = 14 : i64} {
  func.func @_nodevec_kernel(%arg0: memref<10000x40xf32, #tpu.memory_space<vmem>>, %arg1: memref<40x40xf32, #tpu.memory_space<vmem>>, %arg2: memref<1x40xf32, #tpu.memory_space<vmem>>, %arg3: memref<10000x40xf32, #tpu.memory_space<vmem>>, %arg4: memref<40x40xf32, #tpu.memory_space<vmem>>, %arg5: memref<1x40xf32, #tpu.memory_space<vmem>>, %arg6: memref<10240x80xf32, #tpu.memory_space<vmem>>, %arg7: memref<10240x80xf32, #tpu.memory_space<vmem>>) attributes {dimension_semantics = [], scalar_prefetch = 0 : i64, scratch_operands = 0 : i64, tpu.core_type = #tpu.core_type<tc>} {
    %get3A = arith.constant 0 : index
    %get3A_0 = arith.constant 0 : index
    %get3A_1 = vector.load %arg0[%get3A, %get3A_0] : memref<10000x40xf32, #tpu.memory_space<vmem>>, vector<10000x40xf32>
    %get3A_2 = arith.constant 0 : index
    %get3A_3 = arith.constant 0 : index
    %get3A_4 = vector.load %arg1[%get3A_2, %get3A_3] : memref<40x40xf32, #tpu.memory_space<vmem>>, vector<40x40xf32>
    %dot_general3A = arith.constant dense<0.000000e+00> : vector<10000x40xf32>
    %dot_general3A_5 = tpu.matmul %get3A_1, %get3A_4, %dot_general3A {dimension_numbers = #tpu.dot_dimension_numbers<[1], [1], [0], [0], [0, 0, 1, 0], [], []>, transpose_lhs_hint = false} : vector<10000x40xf32>, vector<40x40xf32>, vector<10000x40xf32> -> vector<10000x40xf32>
    %get3A_6 = arith.constant 0 : index
    %get3A_7 = arith.constant 0 : index
    %get3A_8 = vector.load %arg3[%get3A_6, %get3A_7] : memref<10000x40xf32, #tpu.memory_space<vmem>>, vector<10000x40xf32>
    %get3A_9 = arith.constant 0 : index
    %get3A_10 = arith.constant 0 : index
    %get3A_11 = vector.load %arg4[%get3A_9, %get3A_10] : memref<40x40xf32, #tpu.memory_space<vmem>>, vector<40x40xf32>
    %dot_general3A_12 = arith.constant dense<0.000000e+00> : vector<10000x40xf32>
    %dot_general3A_13 = tpu.matmul %get3A_8, %get3A_11, %dot_general3A_12 {dimension_numbers = #tpu.dot_dimension_numbers<[1], [1], [0], [0], [0, 0, 1, 0], [], []>, transpose_lhs_hint = false} : vector<10000x40xf32>, vector<40x40xf32>, vector<10000x40xf32> -> vector<10000x40xf32>
    %get3A_14 = arith.constant 0 : index
    %get3A_15 = arith.constant 0 : index
    %get3A_16 = vector.load %arg2[%get3A_14, %get3A_15] : memref<1x40xf32, #tpu.memory_space<vmem>>, vector<1x40xf32>
    %add3A = vector.broadcast %get3A_16 : vector<1x40xf32> to vector<10000x40xf32>
    %add3A_17 = arith.addf %dot_general3A_5, %add3A : vector<10000x40xf32>
    %mul3A = arith.constant 3.000000e+00 : f32
    %mul3A_18 = vector.broadcast %mul3A : f32 to vector<10000x40xf32>
    %mul3A_19 = arith.mulf %mul3A_18, %add3A_17 : vector<10000x40xf32>
    %tanh3A = math.tanh %mul3A_19 : vector<10000x40xf32>
    %get3A_20 = arith.constant 0 : index
    %get3A_21 = arith.constant 0 : index
    %get3A_22 = vector.load %arg5[%get3A_20, %get3A_21] : memref<1x40xf32, #tpu.memory_space<vmem>>, vector<1x40xf32>
    %add3A_23 = vector.broadcast %get3A_22 : vector<1x40xf32> to vector<10000x40xf32>
    %add3A_24 = arith.addf %dot_general3A_13, %add3A_23 : vector<10000x40xf32>
    %mul3A_25 = arith.constant 3.000000e+00 : f32
    %mul3A_26 = vector.broadcast %mul3A_25 : f32 to vector<10000x40xf32>
    %mul3A_27 = arith.mulf %mul3A_26, %add3A_24 : vector<10000x40xf32>
    %tanh3A_28 = math.tanh %mul3A_27 : vector<10000x40xf32>
    %swap3A = arith.constant 0 : index
    %swap3A_29 = arith.constant 0 : index
    %swap3A_30 = vector.load %arg6[%swap3A, %swap3A_29] : memref<10240x80xf32, #tpu.memory_space<vmem>>, vector<10000x40xf32>
    tpu.vector_store %arg6[%swap3A, %swap3A_29], %tanh3A {strides = array<i32>} : memref<10240x80xf32, #tpu.memory_space<vmem>>, vector<10000x40xf32>,
    %neg3A = arith.constant 0.000000e+00 : f32
    %neg3A_31 = vector.broadcast %neg3A : f32 to vector<10000x40xf32>
    %neg3A_32 = arith.subf %neg3A_31, %tanh3A_28 : vector<10000x40xf32>
    %swap3A_33 = arith.constant 0 : index
    %swap3A_34 = arith.constant 40 : index
    %swap3A_35 = vector.load %arg6[%swap3A_33, %swap3A_34] : memref<10240x80xf32, #tpu.memory_space<vmem>>, vector<10000x40xf32>
    tpu.vector_store %arg6[%swap3A_33, %swap3A_34], %neg3A_32 {strides = array<i32>} : memref<10240x80xf32, #tpu.memory_space<vmem>>, vector<10000x40xf32>,
    %swap3A_36 = arith.constant 0 : index
    %swap3A_37 = arith.constant 0 : index
    %swap3A_38 = vector.load %arg7[%swap3A_36, %swap3A_37] : memref<10240x80xf32, #tpu.memory_space<vmem>>, vector<10000x40xf32>
    tpu.vector_store %arg7[%swap3A_36, %swap3A_37], %tanh3A_28 {strides = array<i32>} : memref<10240x80xf32, #tpu.memory_space<vmem>>, vector<10000x40xf32>,
    %swap3A_39 = arith.constant 0 : index
    %swap3A_40 = arith.constant 40 : index
    %swap3A_41 = vector.load %arg7[%swap3A_39, %swap3A_40] : memref<10240x80xf32, #tpu.memory_space<vmem>>, vector<10000x40xf32>
    tpu.vector_store %arg7[%swap3A_39, %swap3A_40], %tanh3A {strides = array<i32>} : memref<10240x80xf32, #tpu.memory_space<vmem>>, vector<10000x40xf32>,
    %broadcast_in_dim3A = arith.constant 0.000000e+00 : f32
    %broadcast_in_dim3A_42 = vector.broadcast %broadcast_in_dim3A : f32 to vector<240x80xf32>
    %swap3A_43 = arith.constant 10000 : index
    %swap3A_44 = arith.constant 0 : index
    %swap3A_45 = vector.load %arg6[%swap3A_43, %swap3A_44] : memref<10240x80xf32, #tpu.memory_space<vmem>>, vector<240x80xf32>
    tpu.vector_store %arg6[%swap3A_43, %swap3A_44], %broadcast_in_dim3A_42 {strides = array<i32>} : memref<10240x80xf32, #tpu.memory_space<vmem>>, vector<240x80xf32>,
    %broadcast_in_dim3A_46 = arith.constant 0.000000e+00 : f32
    %broadcast_in_dim3A_47 = vector.broadcast %broadcast_in_dim3A_46 : f32 to vector<240x80xf32>
    %swap3A_48 = arith.constant 10000 : index
    %swap3A_49 = arith.constant 0 : index
    %swap3A_50 = vector.load %arg7[%swap3A_48, %swap3A_49] : memref<10240x80xf32, #tpu.memory_space<vmem>>, vector<240x80xf32>
    tpu.vector_store %arg7[%swap3A_48, %swap3A_49], %broadcast_in_dim3A_47 {strides = array<i32>} : memref<10240x80xf32, #tpu.memory_space<vmem>>, vector<240x80xf32>,
    return
  }
}

</mosaic_0001>

<sc_bundles>
// kernel: gather_offload_async_start.1
scs
__scs_entry_jumppad:
0x0: {  	(pc) =	sbr.rel $0x88, $3  }
0x1: {  	(tag) =	ssettag $0x0;
	lr =	simm.s32 $0x1  }
0x2: {  	[smem:$0x3F9A] =	sst lr;
	_ =	strace $0xD0000000  }
0x3: {  	_ = 	snop  }
0x4: {  	_ = 	snop  }
0x5: {  	_ = 	snop  }
0x6: {  	_ = 	snop  }
0x7: {  	_ = 	snop  }
__scs_overlays_trampoline_lowered:
0x8: {  	[smem:$0x3FA9] =	sst s0  }
0x9: {  	[smem:$0x3FAA] =	sst s1  }
0xa: {  	[smem:$0x3FAB] =	sst s2  }
0xb: {  	[smem:$0x3FAC] =	sst s3  }
0xc: {  	[smem:$0x3FAD] =	sst s4  }
0xd: {  	[smem:$0x3FAE] =	sst s5  }
0xe: {  	[smem:$0x3FAF] =	sst s6  }
0xf: {  	[smem:$0x3FB0] =	sst s7  }
0x10: {  	[smem:$0x3FB1] =	sst s8  }
0x11: {  	[smem:$0x3FB2] =	sst s9;
	s0 =	simm.s32 @!p0 $0x0  }
0x12: {  	s1 =	sld [smem:$0x3F98];
	s0 =	simm.s32 @p0 $0x1  }
0x13: {  	[smem:$0x3FB3] =	sst s0;
	s0 =	simm.s32 @!p1 $0x0  }
0x14: {  	s2 =	sld [smem:$0x3F97];
	s0 =	simm.s32 @p1 $0x1  }
0x15: {  	[smem:$0x3FB4] =	sst s0;
	s0 =	simm.s32 @!p2 $0x0  }
0x16: {  	s3 =	sld [smem:$0x3FDB];
	s0 =	simm.s32 @p2 $0x1  }
0x17: {  	s4 =	simm.s32 $0x1BF5;
	[smem:$0x3FB6] =	sst s0  }
0x18: {  	s0 =	sld [smem:$0x3F99];
	_ =	swait.ge [sflag:s4], $0x0  }
0x19: {  	s7 =	sld [smem:$0x3F9A]  }
0x1a: {  	s8 =	sadd.s32 $0xFFFFE003, lr  }
0x1b: {  	s9 =	sadd.s32 $0xFFFFFEF7, lr;
	s5 =	simm.s32 $0xFFFFFFFF;
	p2 =	slt.u32 s8, $0xFFFFF086  }
0x1c: {  	p1 =	slt.u32 s9, $0xF7A;
	s5 =	simm.s32 @!p2 $0x0  }
0x1d: {  	s5 =	simm.s32 @p1 $0x1;
	p0 =	seq.s32 s7, s2  }
0x1e: {  	s7 =	smul.u32 @!p0 $0xF7A, s2;
	p2 =	seq.s32 @!p0 s5, $0x0  }
0x1f: {  	s9 =	smul.u32 $0xF7A, s1;
	s8 =	simm.s32 @!p0 $0x1BF5;
	p2 =	por !p2, p0  }
0x20: {  	[sflag:s8] =	ssyncset.s32 @!p0 $0xFFFFF086;
	s6 =	sadd.s32 @!p0 s3, s7;
	s7 =	simm.s32 @!p0 $0x108  }
0x21: {  	s3 =	sadd.s32 s3, s9;
	s6 =	sadd.s32 @!p0 $0x88, s6;
	s7 =	simm.s32 @p2 $0x1082  }
0x22: {  	[simem:s7], [sflag:s8] =	dma.local @!p0 [hbm:s6], $0xF7A  }
0x23: {  	s9 =	sor.u32 $0xD0000000, s2;
	s6 =	simm.s32 $0x108;
	_ =	swait.ge @!p0 [sflag:s8], $0x0  }
0x24: {  	s3 =	sadd.s32 $0x88, s3;
	s6 =	simm.s32 @!p1 $0x1082;
	[sflag:s4] =	ssyncset.s32 $0xFFFFF086  }
0x25: {  	[simem:s6], [sflag:s4] =	dma.local [hbm:s3], $0xF7A  }
0x26: {  	[smem:$0x3F9A] =	sst s1;
	(tag) =	ssettag s2;
	_ =	strace s9  }
0x27: {  	s1 =	sld [smem:$0x3FAA]  }
0x28: {  	s2 =	sld [smem:$0x3FAB]  }
0x29: {  	s4 =	sld [smem:$0x3FAD]  }
0x2a: {  	p0 =	seq.s32 s5, $0x0;
	s5 =	sld [smem:$0x3FAE]  }
0x2b: {  	s6 =	sld [smem:$0x3FAF]  }
0x2c: {  	s7 =	sld [smem:$0x3FB0]  }
0x2d: {  	s3 =	simm.s32 $0x108;
	s8 =	sld [smem:$0x3FB1]  }
0x2e: {  	s3 =	simm.s32 @!p0 $0x1082;
	s9 =	sld [smem:$0x3FB2]  }
0x2f: {  	lr =	sadd.s32 s0, s3;
	s0 =	sld [smem:$0x3FA9]  }
0x30: {  	s3 =	sld [smem:$0x3FAC]  }
0x31: {  	[smem:$0x3FB5] =	sst s10  }
0x32: {  	s10 =	sld [smem:$0x3FB3];
	_ =	sdelay $0x3  }
0x33: {  	p0 =	seq.s32 s10, $0x1;
	s10 =	sld [smem:$0x3FB5];
	_ =	sdelay $0x3  }
0x34: {  	[smem:$0x3FB5] =	sst s10  }
0x35: {  	s10 =	sld [smem:$0x3FB4];
	_ =	sdelay $0x3  }
0x36: {  	p1 =	seq.s32 s10, $0x1;
	s10 =	sld [smem:$0x3FB5];
	_ =	sdelay $0x3  }
0x37: {  	[smem:$0x3FB5] =	sst s10  }
0x38: {  	s10 =	sld [smem:$0x3FB6]  }
0x39: {  	_ = 	snop;
	(pc) =	sbr.ind lr, $3  }
0x3a: {  	_ = 	snop  }
0x3b: {  	_ = 	snop  }
0x3c: {  	p2 =	seq.s32 s10, $0x1;
	s10 =	sld [smem:$0x3FB5]  }
0x3d: {  	_ =	shalt  }
0x3e: {  	_ =	shalt  }
0x3f: {  	_ =	shalt  }
0x40: {  	_ =	shalt  }
0x41: {  	_ =	shalt  }
0x42: {  	_ =	shalt  }
0x43: {  	_ =	shalt  }
0x44: {  	_ =	shalt  }
0x45: {  	_ =	shalt  }
0x46: {  	_ =	shalt  }
0x47: {  	_ =	shalt  }
0x48: {  	_ =	shalt  }
0x49: {  	_ =	shalt  }
0x4a: {  	_ =	shalt  }
0x4b: {  	_ =	shalt  }
0x4c: {  	_ =	shalt  }
0x4d: {  	_ =	shalt  }
0x4e: {  	_ =	shalt  }
0x4f: {  	_ =	shalt  }
0x50: {  	_ =	shalt  }
0x51: {  	_ =	shalt  }
0x52: {  	_ =	shalt  }
0x53: {  	_ =	shalt  }
0x54: {  	_ =	shalt  }
0x55: {  	_ =	shalt  }
0x56: {  	_ =	shalt  }
0x57: {  	_ =	shalt  }
0x58: {  	_ =	shalt  }
0x59: {  	_ =	shalt  }
0x5a: {  	_ =	shalt  }
0x5b: {  	_ =	shalt  }
0x5c: {  	_ =	shalt  }
0x5d: {  	_ =	shalt  }
0x5e: {  	_ =	shalt  }
0x5f: {  	_ =	shalt  }
0x60: {  	_ =	shalt  }
0x61: {  	_ =	shalt  }
0x62: {  	_ =	shalt  }
0x63: {  	_ =	shalt  }
0x64: {  	_ =	shalt  }
0x65: {  	_ =	shalt  }
0x66: {  	_ =	shalt  }
0x67: {  	_ =	shalt  }
0x68: {  	_ =	shalt  }
0x69: {  	_ =	shalt  }
0x6a: {  	_ =	shalt  }
0x6b: {  	_ =	shalt  }
0x6c: {  	_ =	shalt  }
0x6d: {  	_ =	shalt  }
0x6e: {  	_ =	shalt  }
0x6f: {  	_ =	shalt  }
0x70: {  	_ =	shalt  }
0x71: {  	_ =	shalt  }
0x72: {  	_ =	shalt  }
0x73: {  	_ =	shalt  }
0x74: {  	_ =	shalt  }
0x75: {  	_ =	shalt  }
0x76: {  	_ =	shalt  }
0x77: {  	_ =	shalt  }
0x78: {  	_ =	shalt  }
0x79: {  	_ =	shalt  }
0x7a: {  	_ =	shalt  }
0x7b: {  	_ =	shalt  }
0x7c: {  	_ =	shalt  }
0x7d: {  	_ =	shalt  }
0x7e: {  	_ =	shalt  }
0x7f: {  	_ =	shalt  }
0x80: {  	_ =	shalt  }
0x81: {  	_ =	shalt  }
0x82: {  	_ =	shalt  }
0x83: {  	_ =	shalt  }
0x84: {  	_ =	shalt  }
0x85: {  	_ =	shalt  }
0x86: {  	_ =	shalt  }
0x87: {  	_ =	shalt  }
.Lfunc_end0:
.L_simem_size_0:
called_computation.1_lowered:
.L_overlay_start_0:
0x88: {  	s0 =	sld [smem:$0x3FD9]  }
0x89: {  	s1 =	sld [smem:$0x3FFE];
	_ =	sdelay $0x3  }
0x8a: {  	s0 =	sadd.s32 s1, s0  }
0x8b: {  	[smem:$0x3FC1] =	sst s0  }
0x8c: {  	_ = 	snop  }
0x8d: {  	s0 =	sld [smem:$0x3FD0];
	(tm) =	ssettm $0x1  }
0x8e: {  	s16 =	sld [smem:$0x3FFB];
	_ =	sdelay $0x3  }
0x8f: {  	_ =	strace s16  }
0x90: {  	s1 =	sld [smem:$0x3FFC];
	_ =	sdelay $0x3  }
0x91: {  	_ =	strace s1  }
0x92: {  	s1 =	sld [smem:$0x3FFD];
	_ =	sdelay $0x3  }
0x93: {  	_ =	strace s1  }
0x94: {  	_ =	strace $0x8FFFFFFF  }
0x95: {  	s17 =	sld [smem:$0x3FDB];
	_ =	sdelay $0x1  }
0x96: {  	s2 =	simm.s32 $_scs_section_size  }
0x97: {  	s3 =	simm.s32 $_size__tile_overlayer_lowered;
	s4 =	simm.s32 $_tile_overlayer_lowered  }
0x98: {  	s20 =	simm.s32 $0x1BFF;
	s19 =	sshll.u32 s4, $0x1;
	s1 =	sadd.s32 s2, s17  }
0x99: {  	s5 =	simm.s32 $0x0;
	s18 =	sshll.u32 s3, $0x1;
	s3 =	sadd.s32 s19, s1  }
0x9a: {  	[timem:s5], [sflag:s20] =	dma.local [hbm:s3], s18  }
0x9b: {  	_ =	swait.ge [sflag:s20], s18  }
0x9c: {  	s2 =	ssub.s32 $0x0, s18;
	[sflag:s20] =	ssyncset.done $0x0  }
0x9d: {  	[sflag:s20] =	ssyncadd.s32 s2;
	_ =	sdelay $0x1  }
0x9e: {  	s21 =	simm.s32 $0x1B8B  }
0x9f: {  	_ =	swait.ge [sflag:s21], $0x1  }
0xa0: {  	[sflag:s21] =	ssyncset.done $0x0  }
0xa1: {  	s23 =	simm.s32 $0x1B8E;
	s22 =	sld [smem:$0x3FFE];
	[sflag:s21] =	ssyncadd.s32 $0xFFFFFFFF  }
0xa2: {  	s24 =	simm.s32 $execute0_lowered;
	[smem:$0x3FD2] =	sst s23  }
0xa3: {  	s3 =	sshll.u32 s24, $0x1;
	_ =	strace $0x80000046;
	[dreg:$0x1] =	wrdreg $0xFFFFFFFF  }
0xa4: {  	s25 =	simm.s32 $_size_execute0_lowered;
	s1 =	sadd.s32 s1, s3;
	[dreg:$0x0] =	wrdreg $0x0  }
0xa5: {  	s3 =	sshll.u32 s25, $0x1;
	[dreg:$0x2] =	wrdreg s1  }
0xa6: {  	[dreg:$0x3] =	wrdreg s3  }
0xa7: {  	[dreg:$0x4] =	wrdreg $0xC0  }
0xa8: {  	_ =	task [dreg:s5], $0x5FFFF  }
0xa9: {  	[dreg:$0x1] =	wrdreg $0xFFFFFFFF  }
0xaa: {  	[dreg:$0x0] =	wrdreg $0x60  }
0xab: {  	[dreg:$0x2] =	wrdreg s0  }
0xac: {  	[dreg:$0x3] =	wrdreg s22  }
0xad: {  	[dreg:$0x4] =	wrdreg $0xA  }
0xae: {  	_ =	task.clear_ibuf [dreg:s5], $0x5FFFF;
	_ =	strace $0x90000046  }
0xaf: {  	s26 =	simm.s32 $0xA;
	_ =	strace $0x80000048  }
0xb0: {  	_ =	swait.ge [sflag:s26], $0x1  }
0xb1: {  	[sflag:s26] =	ssyncadd.s32 $0xFFFFFFFF  }
0xb2: {  	_ =	strace $0x90000048  }
0xb3: {  	_ =	sfence  }
0xb4: {  	s28 =	sld [smem:$0x0];
	_ =	sdelay $0x1  }
0xb5: {  	s29 =	srdreg.scid  }
0xb6: {  	s30 =	sshll.u32 s29, $0xD;
	s31 =	sshrl.u32 s29, $0x2  }
0xb7: {  	s2 =	sand.u32 $0x4000, s30;
	s1 =	sand.u32 $0x1, s29;
	s0 =	sadd.s32 s31, s28  }
0xb8: {  	s1 =	sor.u32 s2, s1;
	s0 =	sshll.u32 s0, $0x11  }
0xb9: {  	s0 =	sor.u32 s0, s1  }
0xba: {  	s0 =	sadd.s32 $0x8F2B, s0  }
0xbb: {  	[sflag:s0] =	ssyncadd.remote.s32 $0x1  }
0xbc: {  	_ =	sfence.sel $0xFFFF  }
0xbd: {  	[dreg:$0x0] =	wrdreg $0xFFFFFFFF;
	(pc) =	sbr.abs _section_cstart, $3  }
0xbe: {  	[dreg:$0x1] =	wrdreg $0xFFFFFFFF  }
0xbf: {  	_ =	task.clear_ibuf [dreg:s5], $0x2FFFF;
	_ =	strace $0x9FFFFFFF  }
0xc0: {  	(tm) =	ssettm $0x7FFFFFFF  }
0xc1: {  	_ =	shalt  }
tec
execute0_lowered:
.L_overlay_start_1:
0x0: {  	(tag) =	ssettag $0x1  }
0x1: {  	s0 =	stileid.u32  }
0x2: {  	s1 =	smin.u32 s0, $0x9  }
0x3: {  	s1 =	sadd.s32 s0, s1  }
0x4: {  	s2 =	simm.s32 $0x320;
	p0 =	slt.u32 s0, $0x9;
	s1 =	smul.u32 $0x190, s1  }
0x5: {  	s2 =	simm.s32 @!p0 $0x190  }
0x6: {  	s2 =	sadd.s32 s2, s1  }
0x7: {  	s3 =	smin.u32 s2, $0x2710  }
0x8: {  	s7 =	ssub.s32 s3, s1  }
0x9: {  	p0 =	sgt.s32 s7, $0x0  }
0xa: {  	s7 =	simm.s32 @!p0 $0x0  }
0xb: {  	s31 =	sand.u32 $0xFFF0, s7  }
0xc: {  	s2 =	sshrl.u32 s31, $0x4  }
0xd: {  	s4 =	rddreg [dreg:$0x0];
	s2 =	smul.u32 $0xA3E, s2  }
0xe: {  	s9 =	rddreg [dreg:$0x1];
	s6 =	simm.s32 $0x1  }
0xf: {  	s11 =	simm.s32 $0x3;
	s13 =	simm.s32 $0x0;
	s8 =	sshrl.u32 s2, $0x10  }
0x10: {  	s12 =	simm.s32 $0x0;
	s5 =	sadd.s32 $0x1C00, s9;
	s10 =	smul.u32 $0x190, s8  }
.Ltmp0:
0x11: {  	s9 =	sadd.s32 $0x16200, s9;
	s2 =	rddreg [dreg:$0x2];
	(pc) =	sbr.rel .LBB2_1-.Ltmp0, $4  }
0x12: {  	_ =	strace $0x80000047;
	p0 =	sne.s32 s7, s10;
	s10 =	simm.s32 $0x1  }
0x13: {  	[sflag:s6] =	ssyncpa.u1 $0x0;
	s7 =	simm.s32 $0x2;
	s10 =	simm.s32 @!p0 $0x0  }
0x14: {  	[sflag:s7] =	ssyncpa.u1 $0x0;
	p0 =	por $0x0, $0x0;
	s8 =	sadd.s32 s8, s10  }
0x15: {  	vm0 =	vmmov $0xff;
	vm1 =	vcmask $0x3F20;
	[sflag:s11] =	ssyncpa.u1 $0x0;
	s11 =	smov.u32 s1;
	s10 =	sadd.s32 $0x1, s8  }
.LBB2_6:
0x16: {  	[hbm:s17] =	stream.linear.scatter [tilespmem:s14], [sflag:$0x3], $0x400, $0x38;
	[tilespmem:$0x19320] =	vst v63  }
.LBB2_7:
0x17: {  	s13 =	sadd.s32 $0x190, s11  }
0x18: {  	s15 =	smov.u32 s1;
	p2 =	slt.s32 s13, s3  }
0x19: {  	s15 =	smov.u32 @p2 s13;
	p2 =	sne.s32 s12, s10  }
.Ltmp1:
0x1a: {  	p1 =	slt.u32 s12, $0x2;
	(pc) =	sbr.rel @!p2 .LBB2_8-.Ltmp1, $4  }
0x1b: {  	s14 =	simm.s32 @!p1 $0x3  }
0x1c: {  	s16 =	sadd.s32 $0x1, s12;
	_ =	swait.ge @!p1 [sflag:s14], $0xC800  }
0x1d: {  	p0 =	por !p0, !p0;
	s13 =	smov.u32 s11;
	[sflag:s14] =	ssyncset.done @!p1 $0x0  }
0x1e: {  	s12 =	smov.u32 s16;
	s11 =	smov.u32 s15;
	[sflag:s14] =	ssyncadd.s32 @!p1 $0xFFFF3800  }
.LBB2_1:
0x1f: {  	p1 =	sge.u32 s12, s8  }
0x20: {  	s14 =	sxor.u32 @!p1 $0xFFFFFFFF, s12  }
0x21: {  	s14 =	sand.u32 @!p1 $0x1, s14  }
0x22: {  	s14 =	smul.u32 @!p1 $0x640, s14  }
0x23: {  	s31 =	sadd.s32 $0xFFFFFFFF, s12;
	s15 =	sshrl.u32 @!p1 s11, $0x3  }
0x24: {  	s16 =	sand.u32 @!p1 $0x7, s11;
	s15 =	sadd.s32 @!p1 s5, s15;
	s14 =	sshrl.u32 @!p1 s14, $0x2  }
0x25: {  	[tilespmem:s14], [sflag:$0x2] =	stream.linear.gather @!p1 [hbm4b:s15+s16], $0x190, $0x38;
	[tilespmem:$0x19320] =	vst v63  }
0x26: {  	p1 =	sge.u32 s31, s8  }
.Ltmp2:
0x27: {  	_ = 	snop;
	(pc) =	sbr.rel @p1 .LBB2_7-.Ltmp2, $1  }
0x28: {  	_ =	sdelay $0x3  }
0x29: {  	s14 =	simm.s32 $0x1  }
0x2a: {  	s14 =	simm.s32 @!p0 $0x0  }
0x2b: {  	s15 =	smul.u32 $0x640, s14  }
0x2c: {  	_ =	swait.ge [sflag:s7], $0x190  }
0x2d: {  	[sflag:s7] =	ssyncset.done $0x0;
	s16 =	sshrl.u32 s15, $0x2  }
0x2e: {  	[sflag:s7] =	ssyncadd.s32 $0xFFFFFE70;
	s15 =	sadd.s32 $0x0, s16  }
0x2f: {  	v0 =	vld.msk [tilespmem:s15+$0x0 ss:$0x1], $0xffff;
	_ =	sdelay $0x4  }
0x30: {  	vm2 =	vgt.s32 v0, $0x0  }
0x31: {  	v0 =	vnsel vm2, $0x0, v0  }
0x32: {  	v0 =	vmin.u32 v0, $0x270F  }
0x33: {  	v0 =	vshll.u32 v0, $0x4  }
0x34: {  	s14 =	smul.u32 $0x32000, s14;
	_ =	sdelay $0x1  }
0x35: {  	s14 =	sshrl.u32 s14, $0x2  }
0x36: {  	s14 =	sor.u32 $0x320, s14  }
0x37: {  	[tilespmem:s14], [sflag:$0x1] =	stream.indirect_vreg.gather [hbm:s4], $0x80, v0, vm0, $0x38;
	[tilespmem:$0x19320] =	vst v63  }
0x38: {  	s17 =	sadd.s32 $0x10, s16;
	s15 =	sadd.s32 $0x400, s14  }
0x39: {  	[tilespmem:s15], [sflag:$0x1] =	stream.indirect_vreg.gather [hbm:s4], $0x80, v0, vm1, $0x38;
	[tilespmem:$0x19320] =	vst v63  }
0x3a: {  	s18 =	simm.s32 $0x80;
	v0 =	vld.msk [tilespmem:s17+$0x0 ss:$0x1], $0xffff;
	s17 =	smov.u32 s14  }
.LBB2_3:
0x3b: {  	p1 =	sne.s32 s18, $0x600;
	_ =	sdelay $0x4  }
0x3c: {  	vm2 =	vgt.s32 v0, $0x0  }
0x3d: {  	v0 =	vnsel vm2, $0x0, v0  }
0x3e: {  	v0 =	vmin.u32 v0, $0x270F  }
0x3f: {  	v0 =	vshll.u32 v0, $0x4;
	_ =	sdelay $0x3  }
.Ltmp3:
0x40: {  	s19 =	sshra.s32 s18, $0x2;
	s17 =	sadd.s32 $0x800, s17;
	(pc) =	sbr.rel @p1 .LBB2_3-.Ltmp3, $4  }
0x41: {  	[tilespmem:s17], [sflag:$0x1] =	stream.indirect_vreg.gather [hbm:s4], $0x80, v0, vm0, $0x38;
	[tilespmem:$0x19320] =	vst v63  }
0x42: {  	s19 =	sadd.s32 s19, s16;
	s20 =	sadd.s32 $0x400, s17  }
0x43: {  	[tilespmem:s20], [sflag:$0x1] =	stream.indirect_vreg.gather [hbm:s4], $0x80, v0, vm1, $0x38;
	[tilespmem:$0x19320] =	vst v63  }
0x44: {  	s18 =	sadd.s32 $0x40, s18;
	v0 =	vld.msk [tilespmem:s19+$0x0 ss:$0x1], $0xffff  }
0x45: {  	_ =	sdelay $0x3  }
0x46: {  	vm2 =	vgt.s32 v0, $0x0  }
0x47: {  	v0 =	vnsel vm2, $0x0, v0  }
0x48: {  	v0 =	vmin.u32 v0, $0x270F  }
0x49: {  	v0 =	vshll.u32 v0, $0x4;
	_ =	sdelay $0x3  }
0x4a: {  	s16 =	sadd.s32 $0x800, s17  }
0x4b: {  	[tilespmem:s16], [sflag:$0x1] =	stream.indirect_vreg.gather [hbm:s4], $0x80, v0, vm0, $0x38;
	[tilespmem:$0x19320] =	vst v63  }
0x4c: {  	s16 =	sadd.s32 $0x400, s16  }
0x4d: {  	[tilespmem:s16], [sflag:$0x1] =	stream.indirect_vreg.gather [hbm:s4], $0x80, v0, vm1, $0x38;
	[tilespmem:$0x19320] =	vst v63  }
0x4e: {  	s13 =	sshll.u32 s13, $0x4;
	_ =	swait.ge [sflag:s6], $0xC800  }
0x4f: {  	s13 =	sadd.s32 s13, s9;
	[sflag:s6] =	ssyncset.done $0x0  }
0x50: {  	s17 =	sadd.s32 $0x0, s13;
	s16 =	simm.s32 $0x80;
	[sflag:s6] =	ssyncadd.s32 $0xFFFF3800  }
.LBB2_5:
0x51: {  	[hbm:s17] =	stream.linear.scatter [tilespmem:s14], [sflag:$0x3], $0x400, $0x38;
	[tilespmem:$0x19320] =	vst v63  }
0x52: {  	s17 =	smov.u32 s16;
	s14 =	smov.u32 s15;
	p1 =	sne.s32 s16, $0x1880  }
.Ltmp4:
0x53: {  	s16 =	sadd.s32 $0x80, s16;
	(pc) =	sbr.rel @p1 .LBB2_5-.Ltmp4, $2  }
0x54: {  	_ =	sdelay $0x2  }
0x55: {  	s15 =	sadd.s32 $0x400, s15;
	s17 =	sadd.s32 s17, s13  }
.Ltmp5:
0x56: {  	_ = 	snop;
	(pc) =	sbr.rel .LBB2_6-.Ltmp5, $1  }
0x57: {  	_ =	sdelay $0x3  }
.LBB2_8:
0x58: {  	_ =	sfence.sel $0x180000  }
0x59: {  	s1 =	simm.s32 $0x2;
	[bflag:$0x0] =	sbarrier.arrive $0xFFFF  }
0x5a: {  	s30 =	simm.s32 $0x3;
	[sflag:s1] =	ssyncpa.u1 $0x1  }
0x5b: {  	s31 =	simm.s32 $0x1;
	[sflag:s30] =	ssyncpa.u1 $0x1  }
0x5c: {  	[sflag:s31] =	ssyncpa.u1 $0x1  }
0x5d: {  	p0 =	sne.s32 s0, $0x0;
	_ =	strace $0x90000047  }
0x5e: {  	s0 =	sadd.s32 @!p0 $0x100000, s2;
	[bflag:$0x2] =	sbarrier.arrive $0xFFFF  }
0x5f: {  	[sflag:s0] =	ssyncadd.tile.s32 @!p0 $0x1;
	_ =	shalt  }
.Lfunc_end2:
_tile_overlayer_lowered:
.L_overlay_start_2:
0x60: {  	(tag) =	ssettag $0x2  }
0x61: {  	s0 =	rddreg [dreg:$0x0];
	s2 =	stileid.u32  }
0x62: {  	s1 =	rddreg [dreg:$0x1];
	p0 =	sne.s32 s2, $0x0  }
0x63: {  	s3 =	rddreg [dreg:$0x2];
	[bflag:$0x3] =	sbarrier.arrive $0xFFFF;
	s2 =	simm.s32 @!p0 $0x1C01  }
0x64: {  	[timem:s3], [sflag:s2] =	dma.local @!p0 [hbm:s0], s1  }
0x65: {  	s0 =	simm.s32 @!p0 $0x1  }
0x66: {  	_ =	swait.ge @!p0 [sflag:s0], s1  }
0x67: {  	s1 =	ssub.s32 @!p0 $0x0, s1;
	[sflag:s0] =	ssyncset.done @!p0 $0x0  }
0x68: {  	[sflag:s0] =	ssyncadd.s32 @!p0 s1  }
0x69: {  	[bflag:$0x3] =	sbarrier.arrive $0xFFFF  }
0x6a: {  	_ =	shalt  }

// kernel: gather_offload_async_start
scs
__scs_entry_jumppad:
0x0: {  	(pc) =	sbr.rel $0x88, $3  }
0x1: {  	(tag) =	ssettag $0x0;
	lr =	simm.s32 $0x1  }
0x2: {  	[smem:$0x3F9A] =	sst lr;
	_ =	strace $0xD0000000  }
0x3: {  	_ = 	snop  }
0x4: {  	_ = 	snop  }
0x5: {  	_ = 	snop  }
0x6: {  	_ = 	snop  }
0x7: {  	_ = 	snop  }
__scs_overlays_trampoline_lowered:
0x8: {  	[smem:$0x3FA9] =	sst s0  }
0x9: {  	[smem:$0x3FAA] =	sst s1  }
0xa: {  	[smem:$0x3FAB] =	sst s2  }
0xb: {  	[smem:$0x3FAC] =	sst s3  }
0xc: {  	[smem:$0x3FAD] =	sst s4  }
0xd: {  	[smem:$0x3FAE] =	sst s5  }
0xe: {  	[smem:$0x3FAF] =	sst s6  }
0xf: {  	[smem:$0x3FB0] =	sst s7  }
0x10: {  	[smem:$0x3FB1] =	sst s8  }
0x11: {  	[smem:$0x3FB2] =	sst s9;
	s0 =	simm.s32 @!p0 $0x0  }
0x12: {  	s1 =	sld [smem:$0x3F98];
	s0 =	simm.s32 @p0 $0x1  }
0x13: {  	[smem:$0x3FB3] =	sst s0;
	s0 =	simm.s32 @!p1 $0x0  }
0x14: {  	s2 =	sld [smem:$0x3F97];
	s0 =	simm.s32 @p1 $0x1  }
0x15: {  	[smem:$0x3FB4] =	sst s0;
	s0 =	simm.s32 @!p2 $0x0  }
0x16: {  	s3 =	sld [smem:$0x3FDB];
	s0 =	simm.s32 @p2 $0x1  }
0x17: {  	s4 =	simm.s32 $0x1BF5;
	[smem:$0x3FB6] =	sst s0  }
0x18: {  	s0 =	sld [smem:$0x3F99];
	_ =	swait.ge [sflag:s4], $0x0  }
0x19: {  	s7 =	sld [smem:$0x3F9A]  }
0x1a: {  	s8 =	sadd.s32 $0xFFFFE003, lr  }
0x1b: {  	s9 =	sadd.s32 $0xFFFFFEF7, lr;
	s5 =	simm.s32 $0xFFFFFFFF;
	p2 =	slt.u32 s8, $0xFFFFF086  }
0x1c: {  	p1 =	slt.u32 s9, $0xF7A;
	s5 =	simm.s32 @!p2 $0x0  }
0x1d: {  	s5 =	simm.s32 @p1 $0x1;
	p0 =	seq.s32 s7, s2  }
0x1e: {  	s7 =	smul.u32 @!p0 $0xF7A, s2;
	p2 =	seq.s32 @!p0 s5, $0x0  }
0x1f: {  	s9 =	smul.u32 $0xF7A, s1;
	s8 =	simm.s32 @!p0 $0x1BF5;
	p2 =	por !p2, p0  }
0x20: {  	[sflag:s8] =	ssyncset.s32 @!p0 $0xFFFFF086;
	s6 =	sadd.s32 @!p0 s3, s7;
	s7 =	simm.s32 @!p0 $0x108  }
0x21: {  	s3 =	sadd.s32 s3, s9;
	s6 =	sadd.s32 @!p0 $0x88, s6;
	s7 =	simm.s32 @p2 $0x1082  }
0x22: {  	[simem:s7], [sflag:s8] =	dma.local @!p0 [hbm:s6], $0xF7A  }
0x23: {  	s9 =	sor.u32 $0xD0000000, s2;
	s6 =	simm.s32 $0x108;
	_ =	swait.ge @!p0 [sflag:s8], $0x0  }
0x24: {  	s3 =	sadd.s32 $0x88, s3;
	s6 =	simm.s32 @!p1 $0x1082;
	[sflag:s4] =	ssyncset.s32 $0xFFFFF086  }
0x25: {  	[simem:s6], [sflag:s4] =	dma.local [hbm:s3], $0xF7A  }
0x26: {  	[smem:$0x3F9A] =	sst s1;
	(tag) =	ssettag s2;
	_ =	strace s9  }
0x27: {  	s1 =	sld [smem:$0x3FAA]  }
0x28: {  	s2 =	sld [smem:$0x3FAB]  }
0x29: {  	s4 =	sld [smem:$0x3FAD]  }
0x2a: {  	p0 =	seq.s32 s5, $0x0;
	s5 =	sld [smem:$0x3FAE]  }
0x2b: {  	s6 =	sld [smem:$0x3FAF]  }
0x2c: {  	s7 =	sld [smem:$0x3FB0]  }
0x2d: {  	s3 =	simm.s32 $0x108;
	s8 =	sld [smem:$0x3FB1]  }
0x2e: {  	s3 =	simm.s32 @!p0 $0x1082;
	s9 =	sld [smem:$0x3FB2]  }
0x2f: {  	lr =	sadd.s32 s0, s3;
	s0 =	sld [smem:$0x3FA9]  }
0x30: {  	s3 =	sld [smem:$0x3FAC]  }
0x31: {  	[smem:$0x3FB5] =	sst s10  }
0x32: {  	s10 =	sld [smem:$0x3FB3];
	_ =	sdelay $0x3  }
0x33: {  	p0 =	seq.s32 s10, $0x1;
	s10 =	sld [smem:$0x3FB5];
	_ =	sdelay $0x3  }
0x34: {  	[smem:$0x3FB5] =	sst s10  }
0x35: {  	s10 =	sld [smem:$0x3FB4];
	_ =	sdelay $0x3  }
0x36: {  	p1 =	seq.s32 s10, $0x1;
	s10 =	sld [smem:$0x3FB5];
	_ =	sdelay $0x3  }
0x37: {  	[smem:$0x3FB5] =	sst s10  }
0x38: {  	s10 =	sld [smem:$0x3FB6]  }
0x39: {  	_ = 	snop;
	(pc) =	sbr.ind lr, $3  }
0x3a: {  	_ = 	snop  }
0x3b: {  	_ = 	snop  }
0x3c: {  	p2 =	seq.s32 s10, $0x1;
	s10 =	sld [smem:$0x3FB5]  }
0x3d: {  	_ =	shalt  }
0x3e: {  	_ =	shalt  }
0x3f: {  	_ =	shalt  }
0x40: {  	_ =	shalt  }
0x41: {  	_ =	shalt  }
0x42: {  	_ =	shalt  }
0x43: {  	_ =	shalt  }
0x44: {  	_ =	shalt  }
0x45: {  	_ =	shalt  }
0x46: {  	_ =	shalt  }
0x47: {  	_ =	shalt  }
0x48: {  	_ =	shalt  }
0x49: {  	_ =	shalt  }
0x4a: {  	_ =	shalt  }
0x4b: {  	_ =	shalt  }
0x4c: {  	_ =	shalt  }
0x4d: {  	_ =	shalt  }
0x4e: {  	_ =	shalt  }
0x4f: {  	_ =	shalt  }
0x50: {  	_ =	shalt  }
0x51: {  	_ =	shalt  }
0x52: {  	_ =	shalt  }
0x53: {  	_ =	shalt  }
0x54: {  	_ =	shalt  }
0x55: {  	_ =	shalt  }
0x56: {  	_ =	shalt  }
0x57: {  	_ =	shalt  }
0x58: {  	_ =	shalt  }
0x59: {  	_ =	shalt  }
0x5a: {  	_ =	shalt  }
0x5b: {  	_ =	shalt  }
0x5c: {  	_ =	shalt  }
0x5d: {  	_ =	shalt  }
0x5e: {  	_ =	shalt  }
0x5f: {  	_ =	shalt  }
0x60: {  	_ =	shalt  }
0x61: {  	_ =	shalt  }
0x62: {  	_ =	shalt  }
0x63: {  	_ =	shalt  }
0x64: {  	_ =	shalt  }
0x65: {  	_ =	shalt  }
0x66: {  	_ =	shalt  }
0x67: {  	_ =	shalt  }
0x68: {  	_ =	shalt  }
0x69: {  	_ =	shalt  }
0x6a: {  	_ =	shalt  }
0x6b: {  	_ =	shalt  }
0x6c: {  	_ =	shalt  }
0x6d: {  	_ =	shalt  }
0x6e: {  	_ =	shalt  }
0x6f: {  	_ =	shalt  }
0x70: {  	_ =	shalt  }
0x71: {  	_ =	shalt  }
0x72: {  	_ =	shalt  }
0x73: {  	_ =	shalt  }
0x74: {  	_ =	shalt  }
0x75: {  	_ =	shalt  }
0x76: {  	_ =	shalt  }
0x77: {  	_ =	shalt  }
0x78: {  	_ =	shalt  }
0x79: {  	_ =	shalt  }
0x7a: {  	_ =	shalt  }
0x7b: {  	_ =	shalt  }
0x7c: {  	_ =	shalt  }
0x7d: {  	_ =	shalt  }
0x7e: {  	_ =	shalt  }
0x7f: {  	_ =	shalt  }
0x80: {  	_ =	shalt  }
0x81: {  	_ =	shalt  }
0x82: {  	_ =	shalt  }
0x83: {  	_ =	shalt  }
0x84: {  	_ =	shalt  }
0x85: {  	_ =	shalt  }
0x86: {  	_ =	shalt  }
0x87: {  	_ =	shalt  }
.Lfunc_end0:
.L_simem_size_0:
called_computation_lowered:
.L_overlay_start_0:
0x88: {  	s0 =	sld [smem:$0x3FD9]  }
0x89: {  	s1 =	sld [smem:$0x3FFE];
	_ =	sdelay $0x3  }
0x8a: {  	s0 =	sadd.s32 s1, s0  }
0x8b: {  	[smem:$0x3FC1] =	sst s0  }
0x8c: {  	_ = 	snop  }
0x8d: {  	(tm) =	ssettm $0x1  }
0x8e: {  	s15 =	sld [smem:$0x3FFB];
	_ =	sdelay $0x3  }
0x8f: {  	_ =	strace s15  }
0x90: {  	s0 =	sld [smem:$0x3FFC];
	_ =	sdelay $0x3  }
0x91: {  	_ =	strace s0  }
0x92: {  	s0 =	sld [smem:$0x3FFD];
	_ =	sdelay $0x3  }
0x93: {  	_ =	strace s0  }
0x94: {  	_ =	strace $0x8FFFFFFF  }
0x95: {  	s16 =	sld [smem:$0x3FDB];
	_ =	sdelay $0x1  }
0x96: {  	s17 =	simm.s32 $_scs_section_size  }
0x97: {  	s2 =	simm.s32 $_size__tile_overlayer_lowered;
	s3 =	simm.s32 $_tile_overlayer_lowered  }
0x98: {  	s20 =	simm.s32 $0x1BFF;
	s19 =	sshll.u32 s3, $0x1;
	s0 =	sadd.s32 s17, s16  }
0x99: {  	s4 =	simm.s32 $0x0;
	s18 =	sshll.u32 s2, $0x1;
	s2 =	sadd.s32 s19, s0  }
0x9a: {  	[timem:s4], [sflag:s20] =	dma.local [hbm:s2], s18  }
0x9b: {  	_ =	swait.ge [sflag:s20], s18  }
0x9c: {  	s1 =	ssub.s32 $0x0, s18;
	[sflag:s20] =	ssyncset.done $0x0  }
0x9d: {  	[sflag:s20] =	ssyncadd.s32 s1;
	_ =	sdelay $0x1  }
0x9e: {  	s21 =	simm.s32 $0x1B8B  }
0x9f: {  	_ =	swait.ge [sflag:s21], $0x1  }
0xa0: {  	[sflag:s21] =	ssyncset.done $0x0  }
0xa1: {  	s23 =	simm.s32 $0x1B8E;
	s22 =	sld [smem:$0x3FFE];
	[sflag:s21] =	ssyncadd.s32 $0xFFFFFFFF  }
0xa2: {  	s24 =	simm.s32 $execute0_lowered;
	[smem:$0x3FD2] =	sst s23  }
0xa3: {  	s2 =	sshll.u32 s24, $0x1;
	_ =	strace $0x80000049;
	[dreg:$0x1] =	wrdreg $0xFFFFFFFF  }
0xa4: {  	s25 =	simm.s32 $_size_execute0_lowered;
	s0 =	sadd.s32 s0, s2;
	[dreg:$0x0] =	wrdreg $0x0  }
0xa5: {  	s2 =	sshll.u32 s25, $0x1;
	[dreg:$0x2] =	wrdreg s0  }
0xa6: {  	[dreg:$0x3] =	wrdreg s2  }
0xa7: {  	[dreg:$0x4] =	wrdreg $0xC0  }
0xa8: {  	_ =	task [dreg:s4], $0x5FFFF  }
0xa9: {  	[dreg:$0x1] =	wrdreg $0xFFFFFFFF  }
0xaa: {  	[dreg:$0x0] =	wrdreg $0x60  }
0xab: {  	[dreg:$0x2] =	wrdreg s22  }
0xac: {  	[dreg:$0x3] =	wrdreg $0x9  }
0xad: {  	_ =	task.clear_ibuf [dreg:s4], $0x4FFFF;
	_ =	strace $0x90000049  }
0xae: {  	s26 =	simm.s32 $0x9;
	_ =	strace $0x8000004B  }
0xaf: {  	_ =	swait.ge [sflag:s26], $0x1  }
0xb0: {  	[sflag:s26] =	ssyncadd.s32 $0xFFFFFFFF  }
0xb1: {  	_ =	strace $0x9000004B  }
0xb2: {  	_ =	sfence  }
0xb3: {  	s28 =	sld [smem:$0x0];
	_ =	sdelay $0x1  }
0xb4: {  	s29 =	srdreg.scid  }
0xb5: {  	s30 =	sshll.u32 s29, $0xD;
	s31 =	sshrl.u32 s29, $0x2  }
0xb6: {  	s1 =	sand.u32 $0x1, s29;
	s2 =	sand.u32 $0x4000, s30;
	s0 =	sadd.s32 s31, s28  }
0xb7: {  	s1 =	sor.u32 s2, s1;
	s0 =	sshll.u32 s0, $0x11  }
0xb8: {  	s0 =	sor.u32 s0, s1  }
0xb9: {  	s0 =	sadd.s32 $0x8F2B, s0  }
0xba: {  	[sflag:s0] =	ssyncadd.remote.s32 $0x1  }
0xbb: {  	_ =	sfence.sel $0xFFFF  }
0xbc: {  	[dreg:$0x0] =	wrdreg $0xFFFFFFFF;
	(pc) =	sbr.abs _section_cstart, $3  }
0xbd: {  	[dreg:$0x1] =	wrdreg $0xFFFFFFFF  }
0xbe: {  	_ =	task.clear_ibuf [dreg:s4], $0x2FFFF;
	_ =	strace $0x9FFFFFFF  }
0xbf: {  	(tm) =	ssettm $0x7FFFFFFF  }
tec
execute0_lowered:
.L_overlay_start_1:
0x0: {  	(tag) =	ssettag $0x1  }
0x1: {  	s0 =	stileid.u32  }
0x2: {  	s1 =	smin.u32 s0, $0x9  }
0x3: {  	s1 =	sadd.s32 s0, s1  }
0x4: {  	s2 =	simm.s32 $0x320;
	p0 =	slt.u32 s0, $0x9;
	s1 =	smul.u32 $0x190, s1  }
0x5: {  	s2 =	simm.s32 @!p0 $0x190  }
0x6: {  	s2 =	sadd.s32 s2, s1  }
0x7: {  	s3 =	smin.u32 s2, $0x2710  }
0x8: {  	s7 =	ssub.s32 s3, s1  }
0x9: {  	p0 =	sgt.s32 s7, $0x0  }
0xa: {  	s7 =	simm.s32 @!p0 $0x0  }
0xb: {  	s31 =	sand.u32 $0xFFF0, s7  }
0xc: {  	s2 =	sshrl.u32 s31, $0x4  }
0xd: {  	s2 =	smul.u32 $0xA3E, s2  }
0xe: {  	s9 =	rddreg [dreg:$0x0];
	s6 =	simm.s32 $0x1;
	s11 =	simm.s32 $0x3  }
0xf: {  	s13 =	simm.s32 $0x0;
	s12 =	simm.s32 $0x0;
	s8 =	sshrl.u32 s2, $0x10  }
0x10: {  	s4 =	sadd.s32 $0x51400, s9;
	s5 =	sadd.s32 $0x1C00, s9;
	s10 =	smul.u32 $0x190, s8  }
.Ltmp0:
0x11: {  	s9 =	sadd.s32 $0x78600, s9;
	s2 =	rddreg [dreg:$0x1];
	(pc) =	sbr.rel .LBB2_1-.Ltmp0, $4  }
0x12: {  	_ =	strace $0x8000004A;
	p0 =	sne.s32 s7, s10;
	s10 =	simm.s32 $0x1  }
0x13: {  	[sflag:s6] =	ssyncpa.u1 $0x0;
	s7 =	simm.s32 $0x2;
	s10 =	simm.s32 @!p0 $0x0  }
0x14: {  	[sflag:s7] =	ssyncpa.u1 $0x0;
	p0 =	por $0x0, $0x0;
	s8 =	sadd.s32 s8, s10  }
0x15: {  	vm0 =	vmmov $0xff;
	vm1 =	vcmask $0x3F20;
	[sflag:s11] =	ssyncpa.u1 $0x0;
	s11 =	smov.u32 s1;
	s10 =	sadd.s32 $0x1, s8  }
.LBB2_6:
0x16: {  	[hbm:s17] =	stream.linear.scatter [tilespmem:s14], [sflag:$0x3], $0x400, $0x38;
	[tilespmem:$0x19320] =	vst v63  }
.LBB2_7:
0x17: {  	s13 =	sadd.s32 $0x190, s11  }
0x18: {  	s15 =	smov.u32 s1;
	p2 =	slt.s32 s13, s3  }
0x19: {  	s15 =	smov.u32 @p2 s13;
	p2 =	sne.s32 s12, s10  }
.Ltmp1:
0x1a: {  	p1 =	slt.u32 s12, $0x2;
	(pc) =	sbr.rel @!p2 .LBB2_8-.Ltmp1, $4  }
0x1b: {  	s14 =	simm.s32 @!p1 $0x3  }
0x1c: {  	s16 =	sadd.s32 $0x1, s12;
	_ =	swait.ge @!p1 [sflag:s14], $0xC800  }
0x1d: {  	p0 =	por !p0, !p0;
	s13 =	smov.u32 s11;
	[sflag:s14] =	ssyncset.done @!p1 $0x0  }
0x1e: {  	s12 =	smov.u32 s16;
	s11 =	smov.u32 s15;
	[sflag:s14] =	ssyncadd.s32 @!p1 $0xFFFF3800  }
.LBB2_1:
0x1f: {  	p1 =	sge.u32 s12, s8  }
0x20: {  	s14 =	sxor.u32 @!p1 $0xFFFFFFFF, s12  }
0x21: {  	s14 =	sand.u32 @!p1 $0x1, s14  }
0x22: {  	s14 =	smul.u32 @!p1 $0x640, s14  }
0x23: {  	s31 =	sadd.s32 $0xFFFFFFFF, s12;
	s15 =	sshrl.u32 @!p1 s11, $0x3  }
0x24: {  	s16 =	sand.u32 @!p1 $0x7, s11;
	s15 =	sadd.s32 @!p1 s5, s15;
	s14 =	sshrl.u32 @!p1 s14, $0x2  }
0x25: {  	[tilespmem:s14], [sflag:$0x2] =	stream.linear.gather @!p1 [hbm4b:s15+s16], $0x190, $0x38;
	[tilespmem:$0x19320] =	vst v63  }
0x26: {  	p1 =	sge.u32 s31, s8  }
.Ltmp2:
0x27: {  	_ = 	snop;
	(pc) =	sbr.rel @p1 .LBB2_7-.Ltmp2, $1  }
0x28: {  	_ =	sdelay $0x3  }
0x29: {  	s14 =	simm.s32 $0x1  }
0x2a: {  	s14 =	simm.s32 @!p0 $0x0  }
0x2b: {  	s15 =	smul.u32 $0x640, s14  }
0x2c: {  	_ =	swait.ge [sflag:s7], $0x190  }
0x2d: {  	[sflag:s7] =	ssyncset.done $0x0;
	s16 =	sshrl.u32 s15, $0x2  }
0x2e: {  	[sflag:s7] =	ssyncadd.s32 $0xFFFFFE70;
	s15 =	sadd.s32 $0x0, s16  }
0x2f: {  	v0 =	vld.msk [tilespmem:s15+$0x0 ss:$0x1], $0xffff;
	_ =	sdelay $0x4  }
0x30: {  	vm2 =	vgt.s32 v0, $0x0  }
0x31: {  	v0 =	vnsel vm2, $0x0, v0  }
0x32: {  	v0 =	vmin.u32 v0, $0x270F  }
0x33: {  	v0 =	vshll.u32 v0, $0x4  }
0x34: {  	s14 =	smul.u32 $0x32000, s14;
	_ =	sdelay $0x1  }
0x35: {  	s14 =	sshrl.u32 s14, $0x2  }
0x36: {  	s14 =	sor.u32 $0x320, s14  }
0x37: {  	[tilespmem:s14], [sflag:$0x1] =	stream.indirect_vreg.gather [hbm:s4], $0x80, v0, vm0, $0x38;
	[tilespmem:$0x19320] =	vst v63  }
0x38: {  	s17 =	sadd.s32 $0x10, s16;
	s15 =	sadd.s32 $0x400, s14  }
0x39: {  	[tilespmem:s15], [sflag:$0x1] =	stream.indirect_vreg.gather [hbm:s4], $0x80, v0, vm1, $0x38;
	[tilespmem:$0x19320] =	vst v63  }
0x3a: {  	s18 =	simm.s32 $0x80;
	v0 =	vld.msk [tilespmem:s17+$0x0 ss:$0x1], $0xffff;
	s17 =	smov.u32 s14  }
.LBB2_3:
0x3b: {  	p1 =	sne.s32 s18, $0x600;
	_ =	sdelay $0x4  }
0x3c: {  	vm2 =	vgt.s32 v0, $0x0  }
0x3d: {  	v0 =	vnsel vm2, $0x0, v0  }
0x3e: {  	v0 =	vmin.u32 v0, $0x270F  }
0x3f: {  	v0 =	vshll.u32 v0, $0x4;
	_ =	sdelay $0x3  }
.Ltmp3:
0x40: {  	s19 =	sshra.s32 s18, $0x2;
	s17 =	sadd.s32 $0x800, s17;
	(pc) =	sbr.rel @p1 .LBB2_3-.Ltmp3, $4  }
0x41: {  	[tilespmem:s17], [sflag:$0x1] =	stream.indirect_vreg.gather [hbm:s4], $0x80, v0, vm0, $0x38;
	[tilespmem:$0x19320] =	vst v63  }
0x42: {  	s19 =	sadd.s32 s19, s16;
	s20 =	sadd.s32 $0x400, s17  }
0x43: {  	[tilespmem:s20], [sflag:$0x1] =	stream.indirect_vreg.gather [hbm:s4], $0x80, v0, vm1, $0x38;
	[tilespmem:$0x19320] =	vst v63  }
0x44: {  	s18 =	sadd.s32 $0x40, s18;
	v0 =	vld.msk [tilespmem:s19+$0x0 ss:$0x1], $0xffff  }
0x45: {  	_ =	sdelay $0x3  }
0x46: {  	vm2 =	vgt.s32 v0, $0x0  }
0x47: {  	v0 =	vnsel vm2, $0x0, v0  }
0x48: {  	v0 =	vmin.u32 v0, $0x270F  }
0x49: {  	v0 =	vshll.u32 v0, $0x4;
	_ =	sdelay $0x3  }
0x4a: {  	s16 =	sadd.s32 $0x800, s17  }
0x4b: {  	[tilespmem:s16], [sflag:$0x1] =	stream.indirect_vreg.gather [hbm:s4], $0x80, v0, vm0, $0x38;
	[tilespmem:$0x19320] =	vst v63  }
0x4c: {  	s16 =	sadd.s32 $0x400, s16  }
0x4d: {  	[tilespmem:s16], [sflag:$0x1] =	stream.indirect_vreg.gather [hbm:s4], $0x80, v0, vm1, $0x38;
	[tilespmem:$0x19320] =	vst v63  }
0x4e: {  	s13 =	sshll.u32 s13, $0x4;
	_ =	swait.ge [sflag:s6], $0xC800  }
0x4f: {  	s13 =	sadd.s32 s13, s9;
	[sflag:s6] =	ssyncset.done $0x0  }
0x50: {  	s17 =	sadd.s32 $0x0, s13;
	s16 =	simm.s32 $0x80;
	[sflag:s6] =	ssyncadd.s32 $0xFFFF3800  }
.LBB2_5:
0x51: {  	[hbm:s17] =	stream.linear.scatter [tilespmem:s14], [sflag:$0x3], $0x400, $0x38;
	[tilespmem:$0x19320] =	vst v63  }
0x52: {  	s17 =	smov.u32 s16;
	s14 =	smov.u32 s15;
	p1 =	sne.s32 s16, $0x1880  }
.Ltmp4:
0x53: {  	s16 =	sadd.s32 $0x80, s16;
	(pc) =	sbr.rel @p1 .LBB2_5-.Ltmp4, $2  }
0x54: {  	_ =	sdelay $0x2  }
0x55: {  	s15 =	sadd.s32 $0x400, s15;
	s17 =	sadd.s32 s17, s13  }
.Ltmp5:
0x56: {  	_ = 	snop;
	(pc) =	sbr.rel .LBB2_6-.Ltmp5, $1  }
0x57: {  	_ =	sdelay $0x3  }
.LBB2_8:
0x58: {  	_ =	sfence.sel $0x180000  }
0x59: {  	s1 =	simm.s32 $0x2;
	[bflag:$0x0] =	sbarrier.arrive $0xFFFF  }
0x5a: {  	s30 =	simm.s32 $0x3;
	[sflag:s1] =	ssyncpa.u1 $0x1  }
0x5b: {  	s31 =	simm.s32 $0x1;
	[sflag:s30] =	ssyncpa.u1 $0x1  }
0x5c: {  	[sflag:s31] =	ssyncpa.u1 $0x1  }
0x5d: {  	p0 =	sne.s32 s0, $0x0;
	_ =	strace $0x9000004A  }
0x5e: {  	s0 =	sadd.s32 @!p0 $0x100000, s2;
	[bflag:$0x2] =	sbarrier.arrive $0xFFFF  }
0x5f: {  	[sflag:s0] =	ssyncadd.tile.s32 @!p0 $0x1;
	_ =	shalt  }
.Lfunc_end2:
_tile_overlayer_lowered:
.L_overlay_start_2:
0x60: {  	(tag) =	ssettag $0x2  }
0x61: {  	s0 =	rddreg [dreg:$0x0];
	s2 =	stileid.u32  }
0x62: {  	s1 =	rddreg [dreg:$0x1];
	p0 =	sne.s32 s2, $0x0  }
0x63: {  	s3 =	rddreg [dreg:$0x2];
	[bflag:$0x3] =	sbarrier.arrive $0xFFFF;
	s2 =	simm.s32 @!p0 $0x1C01  }
0x64: {  	[timem:s3], [sflag:s2] =	dma.local @!p0 [hbm:s0], s1  }
0x65: {  	s0 =	simm.s32 @!p0 $0x1  }
0x66: {  	_ =	swait.ge @!p0 [sflag:s0], s1  }
0x67: {  	s1 =	ssub.s32 @!p0 $0x0, s1;
	[sflag:s0] =	ssyncset.done @!p0 $0x0  }
0x68: {  	[sflag:s0] =	ssyncadd.s32 @!p0 s1  }
0x69: {  	[bflag:$0x3] =	sbarrier.arrive $0xFFFF  }
0x6a: {  	_ =	shalt  }

</sc_bundles>
